<compile_context>
chip_gen: v7x
topology: tpu7x:2x2x1
jax: 0.10.2.dev20260603
libtpu: 0.0.44.dev20260713+nightly
codegen_flags: <defaults>
</compile_context>

<pallas_src>
import functools

import jax
import jax.numpy as jnp
import numpy as np
from jax import lax
from jax.experimental import pallas as pl
from jax.experimental.pallas import tpu as pltpu
from jax.experimental.pallas import tpu_sc as plsc

N_NODES = 10000
E = 160000
R0 = 5.0

NC = 2
NS = 16
EB = 128
BLOCKS_PER_TILE = 80
E_PAD = NS * BLOCKS_PER_TILE * EB
ROWS_PER_TILE = 632
N_ACC = NS * ROWS_PER_TILE
PHI_PAD = 256
BE = 4096
BN = 2000


_U = np.zeros((3, 16), np.float32)
_V = np.zeros((3, 16), np.float32)
_BU = np.zeros((1, 16), np.float32)
_BV = np.zeros((1, 16), np.float32)
_BU[0, 0] = 1.0
_BV[0, 0:4] = 1.0
for _k, _c in [(1, 0), (2, 1), (3, 2), (4, 0), (5, 0), (6, 0), (7, 1), (8, 1), (9, 2)]:
    _U[_c, _k] = 1.0
for _k, _c in [(4, 0), (5, 1), (6, 2), (7, 1), (8, 2), (9, 2)]:
    _V[_c, _k] = 1.0

_R = np.zeros((16, PHI_PAD), np.float32)
_T = np.zeros((16, PHI_PAD), np.float32)
for _a in range(16):
    for _k in range(16):
        _R[_a, _k * 16 + _a] = 1.0
        _T[_k, _k * 16 + _a] = 1.0

_SYM_FLAT = [0, 1, 2, 1, 3, 4, 2, 4, 5]
_SELV = np.zeros((16, 3), np.float32)
for _c in range(3):
    _SELV[1 + _c, _c] = 1.0
_SELD = np.zeros((16, 9), np.float32)
for _rs in range(9):
    _SELD[4 + _SYM_FLAT[_rs], _rs] = 1.0


def _leaky(x):
    return jnp.where(x >= 0, x, 0.1 * x)


def _dot0(xt, w):
    return lax.dot_general(xt, w, (((0,), (0,)), ((), ())),
                           preferred_element_type=jnp.float32)


def _phi_body(rt_ref, w0, b0, wd, w1, b1, w2, b2, w3, b3,
              umt, bu, vmt, bv, rm, tm, phi_ref):
    rt = rt_ref[...]
    x_, y_, z_ = rt[0:1], rt[1:2], rt[2:3]
    d2 = x_ * x_ + y_ * y_ + z_ * z_
    d = jnp.sqrt(d2 + 1e-12)
    mu = lax.broadcasted_iota(jnp.int32, (8, 1), 0).astype(jnp.float32) / 7.0
    g = jnp.exp(-0.5 * ((d * (1.0 / R0) - mu) * 8.0) ** 2)
    h = jnp.dot(w0[...], g, preferred_element_type=jnp.float32) + b0[...]
    direct = jnp.dot(wd[...], h, preferred_element_type=jnp.float32)
    y = _leaky(jnp.dot(w1[...], h, preferred_element_type=jnp.float32) + b1[...])
    y = _leaky(jnp.dot(w2[...], y, preferred_element_type=jnp.float32) + b2[...])
    y = jnp.dot(w3[...], y, preferred_element_type=jnp.float32) + b3[...]
    enc_t = direct + y
    t = lax.rsqrt(1.0 + d2 * (49.0 / (R0 * R0)))
    rr = rt * ((7.0 / R0) * t)
    u = jnp.dot(umt[...], rr, preferred_element_type=jnp.float32) + bu[...]
    v = jnp.dot(vmt[...], rr, preferred_element_type=jnp.float32) + bv[...]
    coef_t = u * v
    phi_ref[...] = _dot0(enc_t, rm[...]) * _dot0(coef_t, tm[...])


def _stage1(rt_pad, w0, b0, wd, w1, b1, w2, b2, w3, b3):
    full = lambda s: pl.BlockSpec(s, lambda i: (0,) * len(s))
    return pl.pallas_call(
        _phi_body,
        grid=(E_PAD // BE,),
        in_specs=[
            pl.BlockSpec((3, BE), lambda i: (0, i)),
            full((16, 8)), full((16, 1)), full((16, 16)),
            full((32, 16)), full((32, 1)), full((32, 32)), full((32, 1)),
            full((16, 32)), full((16, 1)),
            full((16, 3)), full((16, 1)), full((16, 3)), full((16, 1)),
            full((16, PHI_PAD)), full((16, PHI_PAD)),
        ],
        out_specs=pl.BlockSpec((BE, PHI_PAD), lambda i: (i, 0)),
        out_shape=jax.ShapeDtypeStruct((E_PAD, PHI_PAD), jnp.float32),
    )(rt_pad, w0, b0, wd, w1, b1, w2, b2, w3, b3,
      jnp.asarray(_U.T.copy()), jnp.asarray(_BU.T.copy()),
      jnp.asarray(_V.T.copy()), jnp.asarray(_BV.T.copy()),
      jnp.asarray(_R), jnp.asarray(_T))


def _sc_scatter_body(phi_hbm, src_hbm, zero_hbm, out_hbm,
                     idx_v0, idx_v1, phi_v0, phi_v1, acc, sem0, sem1):
    c = lax.axis_index("c")
    s = lax.axis_index("s")
    rbase = s * ROWS_PER_TILE
    col = c * 128
    ib = (idx_v0, idx_v1)
    pb = (phi_v0, phi_v1)
    sems = (sem0, sem1)

    def start_load(i, b):
        pltpu.async_copy(src_hbm.at[pl.ds(s * BLOCKS_PER_TILE + i, 1), :],
                         ib[b], sems[b])
        pltpu.async_copy(phi_hbm.at[pl.ds(s * (BLOCKS_PER_TILE * EB) + i * EB, EB),
                                    pl.ds(col, 128)],
                         pb[b], sems[b])

    def wait_load(b):
        pltpu.make_async_copy(src_hbm.at[pl.ds(0, 1), :], ib[b], sems[b]).wait()
        pltpu.make_async_copy(phi_hbm.at[pl.ds(0, EB), pl.ds(col, 128)],
                              pb[b], sems[b]).wait()

    def scatter(b):
        pltpu.sync_copy(pb[b], acc.at[ib[b].at[0]], add=True)

    start_load(0, 0)
    pltpu.sync_copy(zero_hbm.at[pl.ds(rbase, ROWS_PER_TILE), :],
                    acc.at[pl.ds(rbase, ROWS_PER_TILE), :])
    plsc.subcore_barrier()

    def body(g, carry):
        i0 = 2 * g
        start_load(i0 + 1, 1)
        wait_load(0)
        scatter(0)

        @pl.when(i0 + 2 < BLOCKS_PER_TILE)
        def _():
            start_load(i0 + 2, 0)

        wait_load(1)
        scatter(1)
        return carry

    lax.fori_loop(0, BLOCKS_PER_TILE // 2, body, 0)
    plsc.subcore_barrier()
    pltpu.sync_copy(acc.at[pl.ds(rbase, ROWS_PER_TILE), :],
                    out_hbm.at[pl.ds(rbase, ROWS_PER_TILE), pl.ds(col, 128)])


@functools.lru_cache(maxsize=None)
def _sc_scatter_fn():
    mesh = plsc.VectorSubcoreMesh(core_axis_name="c", subcore_axis_name="s")
    return pl.kernel(
        _sc_scatter_body,
        out_type=jax.ShapeDtypeStruct((N_ACC, PHI_PAD), jnp.float32),
        mesh=mesh,
        scratch_types=[
            pltpu.VMEM((1, 128), jnp.int32),
            pltpu.VMEM((1, 128), jnp.int32),
            pltpu.VMEM((EB, 128), jnp.float32),
            pltpu.VMEM((EB, 128), jnp.float32),
            pltpu.VMEM_SHARED((N_ACC, 128), jnp.float32),
            pltpu.SemaphoreType.DMA,
            pltpu.SemaphoreType.DMA,
        ],
    )


def _sc_scatter(phi, src_pad, zeros):
    return _sc_scatter_fn()(phi, src_pad, zeros)


def _proj_body(p_ref, wvb, wdb, a_ref, v_ref, d_ref):
    A = p_ref[...]
    a_ref[...] = A[:, 0:16]
    v_ref[...] = jnp.dot(A, wvb[...], preferred_element_type=jnp.float32)
    d_ref[...] = jnp.dot(A, wdb[...], preferred_element_type=jnp.float32)


def _stage3(acc, wvb, wdb):
    full = lambda s: pl.BlockSpec(s, lambda i: (0,) * len(s))
    return pl.pallas_call(
        _proj_body,
        grid=(N_NODES // BN,),
        in_specs=[
            pl.BlockSpec((BN, PHI_PAD), lambda i: (i, 0)),
            full((PHI_PAD, 48)), full((PHI_PAD, 144)),
        ],
        out_specs=[
            pl.BlockSpec((BN, 16), lambda i: (i, 0)),
            pl.BlockSpec((BN, 48), lambda i: (i, 0)),
            pl.BlockSpec((BN, 144), lambda i: (i, 0)),
        ],
        out_shape=[
            jax.ShapeDtypeStruct((N_NODES, 16), jnp.float32),
            jax.ShapeDtypeStruct((N_NODES, 48), jnp.float32),
            jax.ShapeDtypeStruct((N_NODES, 144), jnp.float32),
        ],
    )(acc, wvb, wdb)


def kernel(r_ij, edge_index, W0, b0, Wd, W1, b1, W2, b2, W3, b3, Wv, Wdd):
    src = edge_index[0].astype(jnp.int32)
    src_pad = jnp.concatenate(
        [src, jnp.full((E_PAD - E,), N_NODES, jnp.int32)]).reshape(E_PAD // 128, 128)
    rt_pad = jnp.pad(r_ij.T, ((0, 0), (0, E_PAD - E)))
    phi = _stage1(rt_pad, W0, b0.reshape(16, 1), Wd,
                  W1, b1.reshape(32, 1), W2, b2.reshape(32, 1),
                  W3, b3.reshape(16, 1))
    acc = _sc_scatter(phi, src_pad, jnp.zeros((N_ACC, 128), jnp.float32))
    wvb = jnp.einsum('kc,va->kavc', jnp.asarray(_SELV), Wv).reshape(PHI_PAD, 48)
    wdb = jnp.einsum('kr,va->kavr', jnp.asarray(_SELD), Wdd).reshape(PHI_PAD, 144)
    a_a, v_flat, d_flat = _stage3(acc, wvb, wdb)
    return (a_a, v_flat.reshape(N_NODES, 16, 3),
            d_flat.reshape(N_NODES, 16, 3, 3))

# --- scband reference (transcript-rebuilt; emitter-appended) ---
"""Pipeline reference for scband-displacement-tensors-16003048145210 (READ-ONLY COPY).

The authoritative reference and input builder live on the scoring server;
editing this copy changes nothing except your own understanding.
"""

import jax, jax.numpy as jnp
import numpy as np

N_NODES = 10000
E = 160000
DIM_A = 16
DIM_V = 16
DIM_D = 16
R0 = 5.0


def radial_encode_8(r_ij, r0):
    # 8 Gaussian radial basis functions on |r|/r0, centers linspace(0,1,8)
    d = jnp.sqrt(jnp.sum(r_ij * r_ij, axis=-1) + 1e-12)
    x = d / r0
    mu = jnp.linspace(0.0, 1.0, 8)
    return jnp.exp(-0.5 * ((x[..., None] - mu) * 8.0) ** 2)


def tens_sigmoid(order, t):
    # soft saturation preserving tensor direction: t / sqrt(1 + |t|^2)
    axes = tuple(range(-order, 0))
    n2 = jnp.sum(t * t, axis=axes, keepdims=True)
    return t / jnp.sqrt(1.0 + n2)


def leaky(x):
    return jnp.where(x >= 0, x, 0.1 * x)


def mlp_radial(x, W0, b0, Wd, W1, b1, W2, b2, W3, b3):
    # nn.Linear(8, dim_a) followed by MLP(dim_a) = lin_direct + 3-layer LeakyReLU stack
    h = x @ W0.T + b0
    direct = h @ Wd.T
    y = leaky(h @ W1.T + b1)
    y = leaky(y @ W2.T + b2)
    y = y @ W3.T + b3
    return direct + y


def setup_inputs(seed: int = 0) -> dict:
    key = jax.random.key(seed)
    ks = [jax.random.fold_in(key, i) for i in range(16)]
    r_ij = jax.random.normal(ks[0], (E, 3), dtype=jnp.float32) * 2.0
    edge_index = jax.random.randint(ks[1], (2, E), 0, N_NODES, dtype=jnp.int64)

    def w(k, shape):
        return (jax.random.normal(k, shape, dtype=jnp.float32) / np.sqrt(shape[-1])).astype(jnp.float32)

    return {
        "r_ij": r_ij,
        "edge_index": edge_index,
        "W0": w(ks[2], (DIM_A, 8)),
        "b0": jnp.zeros((DIM_A,), jnp.float32),
        "Wd": w(ks[3], (DIM_A, DIM_A)),
        "W1": w(ks[4], (2 * DIM_A, DIM_A)),
        "b1": jnp.zeros((2 * DIM_A,), jnp.float32),
        "W2": w(ks[5], (2 * DIM_A, 2 * DIM_A)),
        "b2": jnp.zeros((2 * DIM_A,), jnp.float32),
        "W3": w(ks[6], (DIM_A, 2 * DIM_A)),
        "b3": jnp.zeros((DIM_A,), jnp.float32),
        "Wv": w(ks[7], (DIM_V, DIM_A)),
        "Wdd": w(ks[8], (DIM_D, DIM_A)),
    }


def reference(r_ij, edge_index, W0, b0, Wd, W1, b1, W2, b2, W3, b3, Wv, Wdd):
    rad_enc_ij = mlp_radial(radial_encode_8(r_ij, R0), W0, b0, Wd, W1, b1, W2, b2, W3, b3)  # [E, dim_a]
    r = tens_sigmoid(1, r_ij * (7.0 / R0))  # [E, 3]
    phi_a_ij = rad_enc_ij                                             # [E, dim_a]
    phi_v_ij = rad_enc_ij[..., None] * r[..., None, :]                # [E, dim_a, 3]
    phi_d_ij = rad_enc_ij[..., None, None] * r[..., None, None, :] * r[..., None, :, None]  # [E, dim_a, 3, 3]
    src = edge_index[0]
    A_a_i = jax.ops.segment_sum(phi_a_ij, src, num_segments=N_NODES)
    A_v_i = jax.ops.segment_sum(phi_v_ij, src, num_segments=N_NODES)
    A_d_i = jax.ops.segment_sum(phi_d_ij, src, num_segments=N_NODES)
    out_v = jnp.einsum('nac,va->nvc', A_v_i, Wv)       # TensLinear(1, dim_a, dim_v)
    out_d = jnp.einsum('nars,da->ndrs', A_d_i, Wdd)    # TensLinear(2, dim_a, dim_d)
    return (A_a_i, out_v, out_d)

if __name__ == "__main__":
    import jax
    _d = setup_inputs()
    print(jax.jit(kernel)(*tuple(_d.values())))

</pallas_src>

<mosaic_0001>
#map = affine_map<(d0, d1) -> (0, 0)>
module attributes {stable_mosaic.version = 14 : i64} {
  func.func @_sc_scatter_body(%arg0: i32, %arg1: i32, %arg2: memref<163840x256xf32, #tpu.memory_space<hbm>>, %arg3: memref<1280x128xi32, #tpu.memory_space<hbm>>, %arg4: memref<10112x128xf32, #tpu.memory_space<hbm>>, %arg5: memref<10112x256xf32, #tpu.memory_space<hbm>>, %arg6: memref<1x128xi32, #tpu.memory_space<vmem>>, %arg7: memref<1x128xi32, #tpu.memory_space<vmem>>, %arg8: memref<128x128xf32, #tpu.memory_space<vmem>>, %arg9: memref<128x128xf32, #tpu.memory_space<vmem>>, %arg10: memref<10112x128xf32, #tpu.memory_space<vmem_shared>>, %arg11: memref<!tpu.dma_semaphore, #tpu.memory_space<semaphore_mem>>, %arg12: memref<!tpu.dma_semaphore, #tpu.memory_space<semaphore_mem>>) attributes {dimension_semantics = [#tpu.dimension_semantics<core_parallel>, #tpu.dimension_semantics<subcore_parallel>], iteration_bounds = array<i64: 2, 16>, scalar_prefetch = 0 : i64, scratch_operands = 7 : i64, tpu.core_type = #tpu.core_type<sc_vector_subcore>, window_params = [{transform_indices = #map}, {transform_indices = #map}, {transform_indices = #map}, {transform_indices = #map}]} {
    %mul3A = arith.constant 632 : i32
    %mul3A_0 = arith.muli %arg1, %mul3A : i32
    %mul3A_1 = arith.constant 128 : i32
    %mul3A_2 = arith.muli %arg0, %mul3A_1 : i32
    %mul3A_3 = arith.constant 80 : i32
    %mul3A_4 = arith.muli %arg1, %mul3A_3 : i32
    %add3A = arith.constant 0 : i32
    %add3A_5 = arith.addi %mul3A_4, %add3A : i32
    %dma_start3A = arith.constant 0 : i32
    %dma_start3A_6 = tpu.memref_slice %arg3[%add3A_5, %dma_start3A] : memref<1280x128xi32, #tpu.memory_space<hbm>> -> memref<1x128xi32, #tpu.memory_space<hbm>>
    %dma_start3A_7 = arith.constant 0 : i32
    %dma_start3A_8 = tpu.memref_slice %arg3[%add3A_5, %dma_start3A_7] : memref<1280x128xi32, #tpu.memory_space<hbm>> -> memref<1x128xi32, #tpu.memory_space<hbm>>
    tpu.enqueue_dma source(%dma_start3A_8 : memref<1x128xi32, #tpu.memory_space<hbm>>) target(%arg6 : memref<1x128xi32, #tpu.memory_space<vmem>>) target_semaphore(%arg11 : memref<!tpu.dma_semaphore, #tpu.memory_space<semaphore_mem>>)
    %mul3A_9 = arith.constant 10240 : i32
    %mul3A_10 = arith.muli %arg1, %mul3A_9 : i32
    %add3A_11 = arith.constant 0 : i32
    %add3A_12 = arith.addi %mul3A_10, %add3A_11 : i32
    %dma_start3A_13 = tpu.memref_slice %arg2[%add3A_12, %mul3A_2] : memref<163840x256xf32, #tpu.memory_space<hbm>> -> memref<128x128xf32, #tpu.memory_space<hbm>>
    %dma_start3A_14 = tpu.memref_slice %arg2[%add3A_12, %mul3A_2] : memref<163840x256xf32, #tpu.memory_space<hbm>> -> memref<128x128xf32, #tpu.memory_space<hbm>>
    tpu.enqueue_dma source(%dma_start3A_14 : memref<128x128xf32, #tpu.memory_space<hbm>>) target(%arg8 : memref<128x128xf32, #tpu.memory_space<vmem>>) target_semaphore(%arg11 : memref<!tpu.dma_semaphore, #tpu.memory_space<semaphore_mem>>)
    "tpu.region"() ({
      %run_scoped3A = tpu.sem_alloc : memref<!tpu.dma_semaphore, #tpu.memory_space<semaphore_mem>>
      %dma_start3A_21 = arith.constant 0 : i32
      %dma_start3A_22 = tpu.memref_slice %arg10[%mul3A_0, %dma_start3A_21] : memref<10112x128xf32, #tpu.memory_space<vmem_shared>> -> memref<632x128xf32, #tpu.memory_space<vmem_shared>>
      %dma_start3A_23 = arith.constant 0 : i32
      %dma_start3A_24 = tpu.memref_slice %arg4[%mul3A_0, %dma_start3A_23] : memref<10112x128xf32, #tpu.memory_space<hbm>> -> memref<632x128xf32, #tpu.memory_space<hbm>>
      tpu.enqueue_dma source(%dma_start3A_24 : memref<632x128xf32, #tpu.memory_space<hbm>>) target(%dma_start3A_22 : memref<632x128xf32, #tpu.memory_space<vmem_shared>>) target_semaphore(%run_scoped3A : memref<!tpu.dma_semaphore, #tpu.memory_space<semaphore_mem>>)
      %dma_wait3A = arith.constant 0 : i32
      %dma_wait3A_25 = tpu.memref_slice %arg10[%mul3A_0, %dma_wait3A] : memref<10112x128xf32, #tpu.memory_space<vmem_shared>> -> memref<632x128xf32, #tpu.memory_space<vmem_shared>>
      %dma_wait3A_26 = arith.constant 0 : i32
      %dma_wait3A_27 = tpu.memref_slice %arg4[%mul3A_0, %dma_wait3A_26] : memref<10112x128xf32, #tpu.memory_space<hbm>> -> memref<632x128xf32, #tpu.memory_space<hbm>>
      tpu.wait_dma2 semaphore(%run_scoped3A : memref<!tpu.dma_semaphore, #tpu.memory_space<semaphore_mem>>) src(%dma_wait3A_27 : memref<632x128xf32, #tpu.memory_space<hbm>>) dst(%dma_wait3A_25 : memref<632x128xf32, #tpu.memory_space<vmem_shared>>)
      tpu.yield
    }) : () -> ()
    %barrier3A = arith.constant 0 : index
    tpu.barrier barrier_id(%barrier3A)
    %scan3A = arith.constant 0 : i32
    %scan3A_15 = arith.constant 0 : i32
    %scan3A_16 = arith.constant 40 : i32
    %scan3A_17 = arith.addi %scan3A_15, %scan3A_16 : i32
    %scan3A_18 = arith.constant 1 : i32
    scf.for %scan3A_21 = %scan3A_15 to %scan3A_17 step %scan3A_18  : i32 {
      %mul3A_22 = arith.constant 2 : i32
      %mul3A_23 = arith.muli %mul3A_22, %scan3A_21 : i32
      %add3A_24 = arith.constant 1 : i32
      %add3A_25 = arith.addi %mul3A_23, %add3A_24 : i32
      %mul3A_26 = arith.constant 80 : i32
      %mul3A_27 = arith.muli %arg1, %mul3A_26 : i32
      %add3A_28 = arith.addi %mul3A_27, %add3A_25 : i32
      %dma_start3A_29 = arith.constant 0 : i32
      %dma_start3A_30 = tpu.memref_slice %arg3[%add3A_28, %dma_start3A_29] : memref<1280x128xi32, #tpu.memory_space<hbm>> -> memref<1x128xi32, #tpu.memory_space<hbm>>
      %dma_start3A_31 = arith.constant 0 : i32
      %dma_start3A_32 = tpu.memref_slice %arg3[%add3A_28, %dma_start3A_31] : memref<1280x128xi32, #tpu.memory_space<hbm>> -> memref<1x128xi32, #tpu.memory_space<hbm>>
      tpu.enqueue_dma source(%dma_start3A_32 : memref<1x128xi32, #tpu.memory_space<hbm>>) target(%arg7 : memref<1x128xi32, #tpu.memory_space<vmem>>) target_semaphore(%arg12 : memref<!tpu.dma_semaphore, #tpu.memory_space<semaphore_mem>>)
      %mul3A_33 = arith.constant 10240 : i32
      %mul3A_34 = arith.muli %arg1, %mul3A_33 : i32
      %mul3A_35 = arith.constant 128 : i32
      %mul3A_36 = arith.muli %add3A_25, %mul3A_35 : i32
      %add3A_37 = arith.addi %mul3A_34, %mul3A_36 : i32
      %dma_start3A_38 = tpu.memref_slice %arg2[%add3A_37, %mul3A_2] : memref<163840x256xf32, #tpu.memory_space<hbm>> -> memref<128x128xf32, #tpu.memory_space<hbm>>
      %dma_start3A_39 = tpu.memref_slice %arg2[%add3A_37, %mul3A_2] : memref<163840x256xf32, #tpu.memory_space<hbm>> -> memref<128x128xf32, #tpu.memory_space<hbm>>
      tpu.enqueue_dma source(%dma_start3A_39 : memref<128x128xf32, #tpu.memory_space<hbm>>) target(%arg9 : memref<128x128xf32, #tpu.memory_space<vmem>>) target_semaphore(%arg12 : memref<!tpu.dma_semaphore, #tpu.memory_space<semaphore_mem>>)
      %dma_wait3A = arith.constant 0 : i32
      %dma_wait3A_40 = arith.constant 0 : i32
      %dma_wait3A_41 = tpu.memref_slice %arg3[%dma_wait3A, %dma_wait3A_40] : memref<1280x128xi32, #tpu.memory_space<hbm>> -> memref<1x128xi32, #tpu.memory_space<hbm>>
      %dma_wait3A_42 = arith.constant 0 : i32
      %dma_wait3A_43 = arith.constant 0 : i32
      %dma_wait3A_44 = tpu.memref_slice %arg3[%dma_wait3A_42, %dma_wait3A_43] : memref<1280x128xi32, #tpu.memory_space<hbm>> -> memref<1x128xi32, #tpu.memory_space<hbm>>
      tpu.wait_dma2 semaphore(%arg11 : memref<!tpu.dma_semaphore, #tpu.memory_space<semaphore_mem>>) src(%dma_wait3A_44 : memref<1x128xi32, #tpu.memory_space<hbm>>) dst(%arg6 : memref<1x128xi32, #tpu.memory_space<vmem>>)
      %dma_wait3A_45 = arith.constant 0 : i32
      %dma_wait3A_46 = tpu.memref_slice %arg2[%dma_wait3A_45, %mul3A_2] : memref<163840x256xf32, #tpu.memory_space<hbm>> -> memref<128x128xf32, #tpu.memory_space<hbm>>
      %dma_wait3A_47 = arith.constant 0 : i32
      %dma_wait3A_48 = tpu.memref_slice %arg2[%dma_wait3A_47, %mul3A_2] : memref<163840x256xf32, #tpu.memory_space<hbm>> -> memref<128x128xf32, #tpu.memory_space<hbm>>
      tpu.wait_dma2 semaphore(%arg11 : memref<!tpu.dma_semaphore, #tpu.memory_space<semaphore_mem>>) src(%dma_wait3A_48 : memref<128x128xf32, #tpu.memory_space<hbm>>) dst(%arg8 : memref<128x128xf32, #tpu.memory_space<vmem>>)
      %run_scoped3A = arith.constant 0 : i32
      "tpu.region"() ({
        %run_scoped3A_64 = tpu.sem_alloc : memref<!tpu.dma_semaphore, #tpu.memory_space<semaphore_mem>>
        %dma_start3A_65 = arith.constant 0 : i32
        %dma_start3A_66 = tpu.memref_slice %arg6[%run_scoped3A, %dma_start3A_65] : memref<1x128xi32, #tpu.memory_space<vmem>> -> memref<1x128xi32, #tpu.memory_space<vmem>>
        %dma_start3A_67 = tpu.memref_squeeze %dma_start3A_66 : memref<1x128xi32, #tpu.memory_space<vmem>> -> memref<128xi32, #tpu.memory_space<vmem>>
        %dma_start3A_68 = arith.constant 0 : i32
        %dma_start3A_69 = arith.constant 0 : i32
        %dma_start3A_70 = tpu.memref_slice %arg10[%dma_start3A_68, %dma_start3A_69] : memref<10112x128xf32, #tpu.memory_space<vmem_shared>> -> memref<10112x128xf32, #tpu.memory_space<vmem_shared>>
        tpu.enqueue_indirect_dma source(%arg8 : memref<128x128xf32, #tpu.memory_space<vmem>>) target(%dma_start3A_70 : memref<10112x128xf32, #tpu.memory_space<vmem_shared>>) offsets(%dma_start3A_67 : memref<128xi32, #tpu.memory_space<vmem>>) semaphore(%run_scoped3A_64 : memref<!tpu.dma_semaphore, #tpu.memory_space<semaphore_mem>>) {add = true}
        %dma_wait3A_71 = arith.constant 0 : i32
        %dma_wait3A_72 = tpu.memref_slice %arg6[%run_scoped3A, %dma_wait3A_71] : memref<1x128xi32, #tpu.memory_space<vmem>> -> memref<1x128xi32, #tpu.memory_space<vmem>>
        %dma_wait3A_73 = tpu.memref_squeeze %dma_wait3A_72 : memref<1x128xi32, #tpu.memory_space<vmem>> -> memref<128xi32, #tpu.memory_space<vmem>>
        %dma_wait3A_74 = arith.constant 0 : i32
        %dma_wait3A_75 = arith.constant 0 : i32
        %dma_wait3A_76 = tpu.memref_slice %arg10[%dma_wait3A_74, %dma_wait3A_75] : memref<10112x128xf32, #tpu.memory_space<vmem_shared>> -> memref<10112x128xf32, #tpu.memory_space<vmem_shared>>
        tpu.wait_indirect_dma semaphore(%run_scoped3A_64 : memref<!tpu.dma_semaphore, #tpu.memory_space<semaphore_mem>>) src(%arg8 : memref<128x128xf32, #tpu.memory_space<vmem>>) dst(%dma_wait3A_76 : memref<10112x128xf32, #tpu.memory_space<vmem_shared>>)
        tpu.yield
      }) : () -> ()
      %add3A_49 = arith.constant 2 : i32
      %add3A_50 = arith.addi %mul3A_23, %add3A_49 : i32
      %lt3A = arith.constant 80 : i32
      %lt3A_51 = arith.cmpi slt, %add3A_50, %lt3A : i32
      %convert_element_type3A = arith.extui %lt3A_51 : i1 to i32
      %cond3A = arith.constant 0 : i32
      %cond3A_52 = arith.cmpi ne, %convert_element_type3A, %cond3A : i32
      scf.if %cond3A_52 {
        %add3A_64 = arith.constant 2 : i32
        %add3A_65 = arith.addi %mul3A_23, %add3A_64 : i32
        %mul3A_66 = arith.constant 80 : i32
        %mul3A_67 = arith.muli %arg1, %mul3A_66 : i32
        %add3A_68 = arith.addi %mul3A_67, %add3A_65 : i32
        %dma_start3A_69 = arith.constant 0 : i32
        %dma_start3A_70 = tpu.memref_slice %arg3[%add3A_68, %dma_start3A_69] : memref<1280x128xi32, #tpu.memory_space<hbm>> -> memref<1x128xi32, #tpu.memory_space<hbm>>
        %dma_start3A_71 = arith.constant 0 : i32
        %dma_start3A_72 = tpu.memref_slice %arg3[%add3A_68, %dma_start3A_71] : memref<1280x128xi32, #tpu.memory_space<hbm>> -> memref<1x128xi32, #tpu.memory_space<hbm>>
        tpu.enqueue_dma source(%dma_start3A_72 : memref<1x128xi32, #tpu.memory_space<hbm>>) target(%arg6 : memref<1x128xi32, #tpu.memory_space<vmem>>) target_semaphore(%arg11 : memref<!tpu.dma_semaphore, #tpu.memory_space<semaphore_mem>>)
        %mul3A_73 = arith.constant 10240 : i32
        %mul3A_74 = arith.muli %arg1, %mul3A_73 : i32
        %mul3A_75 = arith.constant 128 : i32
        %mul3A_76 = arith.muli %add3A_65, %mul3A_75 : i32
        %add3A_77 = arith.addi %mul3A_74, %mul3A_76 : i32
        %dma_start3A_78 = tpu.memref_slice %arg2[%add3A_77, %mul3A_2] : memref<163840x256xf32, #tpu.memory_space<hbm>> -> memref<128x128xf32, #tpu.memory_space<hbm>>
        %dma_start3A_79 = tpu.memref_slice %arg2[%add3A_77, %mul3A_2] : memref<163840x256xf32, #tpu.memory_space<hbm>> -> memref<128x128xf32, #tpu.memory_space<hbm>>
        tpu.enqueue_dma source(%dma_start3A_79 : memref<128x128xf32, #tpu.memory_space<hbm>>) target(%arg8 : memref<128x128xf32, #tpu.memory_space<vmem>>) target_semaphore(%arg11 : memref<!tpu.dma_semaphore, #tpu.memory_space<semaphore_mem>>)
      } else {
      }
      %dma_wait3A_53 = arith.constant 0 : i32
      %dma_wait3A_54 = arith.constant 0 : i32
      %dma_wait3A_55 = tpu.memref_slice %arg3[%dma_wait3A_53, %dma_wait3A_54] : memref<1280x128xi32, #tpu.memory_space<hbm>> -> memref<1x128xi32, #tpu.memory_space<hbm>>
      %dma_wait3A_56 = arith.constant 0 : i32
      %dma_wait3A_57 = arith.constant 0 : i32
      %dma_wait3A_58 = tpu.memref_slice %arg3[%dma_wait3A_56, %dma_wait3A_57] : memref<1280x128xi32, #tpu.memory_space<hbm>> -> memref<1x128xi32, #tpu.memory_space<hbm>>
      tpu.wait_dma2 semaphore(%arg12 : memref<!tpu.dma_semaphore, #tpu.memory_space<semaphore_mem>>) src(%dma_wait3A_58 : memref<1x128xi32, #tpu.memory_space<hbm>>) dst(%arg7 : memref<1x128xi32, #tpu.memory_space<vmem>>)
      %dma_wait3A_59 = arith.constant 0 : i32
      %dma_wait3A_60 = tpu.memref_slice %arg2[%dma_wait3A_59, %mul3A_2] : memref<163840x256xf32, #tpu.memory_space<hbm>> -> memref<128x128xf32, #tpu.memory_space<hbm>>
      %dma_wait3A_61 = arith.constant 0 : i32
      %dma_wait3A_62 = tpu.memref_slice %arg2[%dma_wait3A_61, %mul3A_2] : memref<163840x256xf32, #tpu.memory_space<hbm>> -> memref<128x128xf32, #tpu.memory_space<hbm>>
      tpu.wait_dma2 semaphore(%arg12 : memref<!tpu.dma_semaphore, #tpu.memory_space<semaphore_mem>>) src(%dma_wait3A_62 : memref<128x128xf32, #tpu.memory_space<hbm>>) dst(%arg9 : memref<128x128xf32, #tpu.memory_space<vmem>>)
      %run_scoped3A_63 = arith.constant 0 : i32
      "tpu.region"() ({
        %run_scoped3A_64 = tpu.sem_alloc : memref<!tpu.dma_semaphore, #tpu.memory_space<semaphore_mem>>
        %dma_start3A_65 = arith.constant 0 : i32
        %dma_start3A_66 = tpu.memref_slice %arg7[%run_scoped3A_63, %dma_start3A_65] : memref<1x128xi32, #tpu.memory_space<vmem>> -> memref<1x128xi32, #tpu.memory_space<vmem>>
        %dma_start3A_67 = tpu.memref_squeeze %dma_start3A_66 : memref<1x128xi32, #tpu.memory_space<vmem>> -> memref<128xi32, #tpu.memory_space<vmem>>
        %dma_start3A_68 = arith.constant 0 : i32
        %dma_start3A_69 = arith.constant 0 : i32
        %dma_start3A_70 = tpu.memref_slice %arg10[%dma_start3A_68, %dma_start3A_69] : memref<10112x128xf32, #tpu.memory_space<vmem_shared>> -> memref<10112x128xf32, #tpu.memory_space<vmem_shared>>
        tpu.enqueue_indirect_dma source(%arg9 : memref<128x128xf32, #tpu.memory_space<vmem>>) target(%dma_start3A_70 : memref<10112x128xf32, #tpu.memory_space<vmem_shared>>) offsets(%dma_start3A_67 : memref<128xi32, #tpu.memory_space<vmem>>) semaphore(%run_scoped3A_64 : memref<!tpu.dma_semaphore, #tpu.memory_space<semaphore_mem>>) {add = true}
        %dma_wait3A_71 = arith.constant 0 : i32
        %dma_wait3A_72 = tpu.memref_slice %arg7[%run_scoped3A_63, %dma_wait3A_71] : memref<1x128xi32, #tpu.memory_space<vmem>> -> memref<1x128xi32, #tpu.memory_space<vmem>>
        %dma_wait3A_73 = tpu.memref_squeeze %dma_wait3A_72 : memref<1x128xi32, #tpu.memory_space<vmem>> -> memref<128xi32, #tpu.memory_space<vmem>>
        %dma_wait3A_74 = arith.constant 0 : i32
        %dma_wait3A_75 = arith.constant 0 : i32
        %dma_wait3A_76 = tpu.memref_slice %arg10[%dma_wait3A_74, %dma_wait3A_75] : memref<10112x128xf32, #tpu.memory_space<vmem_shared>> -> memref<10112x128xf32, #tpu.memory_space<vmem_shared>>
        tpu.wait_indirect_dma semaphore(%run_scoped3A_64 : memref<!tpu.dma_semaphore, #tpu.memory_space<semaphore_mem>>) src(%arg9 : memref<128x128xf32, #tpu.memory_space<vmem>>) dst(%dma_wait3A_76 : memref<10112x128xf32, #tpu.memory_space<vmem_shared>>)
        tpu.yield
      }) : () -> ()
    }
    %scan3A_19 = arith.constant 40 : i32
    %barrier3A_20 = arith.constant 0 : index
    tpu.barrier barrier_id(%barrier3A_20)
    "tpu.region"() ({
      %run_scoped3A = tpu.sem_alloc : memref<!tpu.dma_semaphore, #tpu.memory_space<semaphore_mem>>
      %dma_start3A_21 = tpu.memref_slice %arg5[%mul3A_0, %mul3A_2] : memref<10112x256xf32, #tpu.memory_space<hbm>> -> memref<632x128xf32, #tpu.memory_space<hbm>>
      %dma_start3A_22 = arith.constant 0 : i32
      %dma_start3A_23 = tpu.memref_slice %arg10[%mul3A_0, %dma_start3A_22] : memref<10112x128xf32, #tpu.memory_space<vmem_shared>> -> memref<632x128xf32, #tpu.memory_space<vmem_shared>>
      tpu.enqueue_dma source(%dma_start3A_23 : memref<632x128xf32, #tpu.memory_space<vmem_shared>>) target(%dma_start3A_21 : memref<632x128xf32, #tpu.memory_space<hbm>>) target_semaphore(%run_scoped3A : memref<!tpu.dma_semaphore, #tpu.memory_space<semaphore_mem>>)
      %dma_wait3A = tpu.memref_slice %arg5[%mul3A_0, %mul3A_2] : memref<10112x256xf32, #tpu.memory_space<hbm>> -> memref<632x128xf32, #tpu.memory_space<hbm>>
      %dma_wait3A_24 = arith.constant 0 : i32
      %dma_wait3A_25 = tpu.memref_slice %arg10[%mul3A_0, %dma_wait3A_24] : memref<10112x128xf32, #tpu.memory_space<vmem_shared>> -> memref<632x128xf32, #tpu.memory_space<vmem_shared>>
      tpu.wait_dma2 semaphore(%run_scoped3A : memref<!tpu.dma_semaphore, #tpu.memory_space<semaphore_mem>>) src(%dma_wait3A_25 : memref<632x128xf32, #tpu.memory_space<vmem_shared>>) dst(%dma_wait3A : memref<632x128xf32, #tpu.memory_space<hbm>>)
      tpu.yield
    }) : () -> ()
    return
  }
}

module attributes {stable_mosaic.version = 14 : i64} {
  func.func @_phi_body(%arg0: i32, %arg1: memref<3x4096xf32, #tpu.memory_space<vmem>>, %arg2: memref<16x8xf32, #tpu.memory_space<vmem>>, %arg3: memref<16x1xf32, #tpu.memory_space<vmem>>, %arg4: memref<16x16xf32, #tpu.memory_space<vmem>>, %arg5: memref<32x16xf32, #tpu.memory_space<vmem>>, %arg6: memref<32x1xf32, #tpu.memory_space<vmem>>, %arg7: memref<32x32xf32, #tpu.memory_space<vmem>>, %arg8: memref<32x1xf32, #tpu.memory_space<vmem>>, %arg9: memref<16x32xf32, #tpu.memory_space<vmem>>, %arg10: memref<16x1xf32, #tpu.memory_space<vmem>>, %arg11: memref<16x3xf32, #tpu.memory_space<vmem>>, %arg12: memref<16x1xf32, #tpu.memory_space<vmem>>, %arg13: memref<16x3xf32, #tpu.memory_space<vmem>>, %arg14: memref<16x1xf32, #tpu.memory_space<vmem>>, %arg15: memref<16x256xf32, #tpu.memory_space<vmem>>, %arg16: memref<16x256xf32, #tpu.memory_space<vmem>>, %arg17: memref<4096x256xf32, #tpu.memory_space<vmem>>) attributes {dimension_semantics = [#tpu.dimension_semantics<arbitrary>], iteration_bounds = array<i64: 40>, scalar_prefetch = 0 : i64, scratch_operands = 0 : i64, tpu.core_type = #tpu.core_type<tc>, window_params = [{transform_indices = @transform_0, window_bounds = array<i64: 3, 4096>}, {pipeline_mode = #tpu.pipeline_mode<synchronous>, transform_indices = @transform_1, window_bounds = array<i64: 16, 8>}, {pipeline_mode = #tpu.pipeline_mode<synchronous>, transform_indices = @transform_2, window_bounds = array<i64: 16, 1>}, {pipeline_mode = #tpu.pipeline_mode<synchronous>, transform_indices = @transform_3, window_bounds = array<i64: 16, 16>}, {pipeline_mode = #tpu.pipeline_mode<synchronous>, transform_indices = @transform_4, window_bounds = array<i64: 32, 16>}, {pipeline_mode = #tpu.pipeline_mode<synchronous>, transform_indices = @transform_5, window_bounds = array<i64: 32, 1>}, {pipeline_mode = #tpu.pipeline_mode<synchronous>, transform_indices = @transform_6, window_bounds = array<i64: 32, 32>}, {pipeline_mode = #tpu.pipeline_mode<synchronous>, transform_indices = @transform_7, window_bounds = array<i64: 32, 1>}, {pipeline_mode = #tpu.pipeline_mode<synchronous>, transform_indices = @transform_8, window_bounds = array<i64: 16, 32>}, {pipeline_mode = #tpu.pipeline_mode<synchronous>, transform_indices = @transform_9, window_bounds = array<i64: 16, 1>}, {pipeline_mode = #tpu.pipeline_mode<synchronous>, transform_indices = @transform_10, window_bounds = array<i64: 16, 3>}, {pipeline_mode = #tpu.pipeline_mode<synchronous>, transform_indices = @transform_11, window_bounds = array<i64: 16, 1>}, {pipeline_mode = #tpu.pipeline_mode<synchronous>, transform_indices = @transform_12, window_bounds = array<i64: 16, 3>}, {pipeline_mode = #tpu.pipeline_mode<synchronous>, transform_indices = @transform_13, window_bounds = array<i64: 16, 1>}, {pipeline_mode = #tpu.pipeline_mode<synchronous>, transform_indices = @transform_14, window_bounds = array<i64: 16, 256>}, {pipeline_mode = #tpu.pipeline_mode<synchronous>, transform_indices = @transform_15, window_bounds = array<i64: 16, 256>}, {transform_indices = @transform_16, window_bounds = array<i64: 4096, 256>}]} {
    %get3A = arith.constant 0 : index
    %get3A_0 = arith.constant 0 : index
    %get3A_1 = vector.load %arg1[%get3A, %get3A_0] : memref<3x4096xf32, #tpu.memory_space<vmem>>, vector<3x4096xf32>
    %slice3A = vector.extract_strided_slice %get3A_1 {offsets = [0, 0], sizes = [1, 4096], strides = [1, 1]} : vector<3x4096xf32> to vector<1x4096xf32>
    %slice3A_2 = vector.extract_strided_slice %get3A_1 {offsets = [1, 0], sizes = [1, 4096], strides = [1, 1]} : vector<3x4096xf32> to vector<1x4096xf32>
    %slice3A_3 = vector.extract_strided_slice %get3A_1 {offsets = [2, 0], sizes = [1, 4096], strides = [1, 1]} : vector<3x4096xf32> to vector<1x4096xf32>
    %mul3A = arith.mulf %slice3A, %slice3A : vector<1x4096xf32>
    %mul3A_4 = arith.mulf %slice3A_2, %slice3A_2 : vector<1x4096xf32>
    %add3A = arith.addf %mul3A, %mul3A_4 : vector<1x4096xf32>
    %mul3A_5 = arith.mulf %slice3A_3, %slice3A_3 : vector<1x4096xf32>
    %add3A_6 = arith.addf %add3A, %mul3A_5 : vector<1x4096xf32>
    %add3A_7 = arith.constant 9.99999996E-13 : f32
    %add3A_8 = vector.broadcast %add3A_7 : f32 to vector<1x4096xf32>
    %add3A_9 = arith.addf %add3A_6, %add3A_8 : vector<1x4096xf32>
    %sqrt3A = math.sqrt %add3A_9 : vector<1x4096xf32>
    %iota3A = tpu.iota {dimensions = array<i32: 0>} : vector<8x1xi32>
    %convert_element_type3A = arith.sitofp %iota3A : vector<8x1xi32> to vector<8x1xf32>
    %div3A = arith.constant 7.000000e+00 : f32
    %div3A_10 = vector.broadcast %div3A : f32 to vector<8x1xf32>
    %div3A_11 = arith.divf %convert_element_type3A, %div3A_10 : vector<8x1xf32>
    %mul3A_12 = arith.constant 2.000000e-01 : f32
    %mul3A_13 = vector.broadcast %mul3A_12 : f32 to vector<1x4096xf32>
    %mul3A_14 = arith.mulf %sqrt3A, %mul3A_13 : vector<1x4096xf32>
    %sub3A = vector.broadcast %mul3A_14 : vector<1x4096xf32> to vector<8x4096xf32>
    %sub3A_15 = vector.broadcast %div3A_11 : vector<8x1xf32> to vector<8x4096xf32>
    %sub3A_16 = arith.subf %sub3A, %sub3A_15 : vector<8x4096xf32>
    %mul3A_17 = arith.constant 8.000000e+00 : f32
    %mul3A_18 = vector.broadcast %mul3A_17 : f32 to vector<8x4096xf32>
    %mul3A_19 = arith.mulf %sub3A_16, %mul3A_18 : vector<8x4096xf32>
    %integer_pow3A = arith.mulf %mul3A_19, %mul3A_19 : vector<8x4096xf32>
    %mul3A_20 = arith.constant -5.000000e-01 : f32
    %mul3A_21 = vector.broadcast %mul3A_20 : f32 to vector<8x4096xf32>
    %mul3A_22 = arith.mulf %mul3A_21, %integer_pow3A : vector<8x4096xf32>
    %exp3A = math.exp %mul3A_22 : vector<8x4096xf32>
    %get3A_23 = arith.constant 0 : index
    %get3A_24 = arith.constant 0 : index
    %get3A_25 = vector.load %arg2[%get3A_23, %get3A_24] : memref<16x8xf32, #tpu.memory_space<vmem>>, vector<16x8xf32>
    %dot_general3A = arith.constant dense<0.000000e+00> : vector<16x4096xf32>
    %dot_general3A_26 = tpu.matmul %get3A_25, %exp3A, %dot_general3A {dimension_numbers = #tpu.dot_dimension_numbers<[1], [0], [0], [1], [0, 0, 1, 1], [], []>, transpose_lhs_hint = false} : vector<16x8xf32>, vector<8x4096xf32>, vector<16x4096xf32> -> vector<16x4096xf32>
    %get3A_27 = arith.constant 0 : index
    %get3A_28 = arith.constant 0 : index
    %get3A_29 = vector.load %arg3[%get3A_27, %get3A_28] : memref<16x1xf32, #tpu.memory_space<vmem>>, vector<16x1xf32>
    %add3A_30 = vector.broadcast %get3A_29 : vector<16x1xf32> to vector<16x4096xf32>
    %add3A_31 = arith.addf %dot_general3A_26, %add3A_30 : vector<16x4096xf32>
    %get3A_32 = arith.constant 0 : index
    %get3A_33 = arith.constant 0 : index
    %get3A_34 = vector.load %arg4[%get3A_32, %get3A_33] : memref<16x16xf32, #tpu.memory_space<vmem>>, vector<16x16xf32>
    %dot_general3A_35 = arith.constant dense<0.000000e+00> : vector<16x4096xf32>
    %dot_general3A_36 = tpu.matmul %get3A_34, %add3A_31, %dot_general3A_35 {dimension_numbers = #tpu.dot_dimension_numbers<[1], [0], [0], [1], [0, 0, 1, 1], [], []>, transpose_lhs_hint = false} : vector<16x16xf32>, vector<16x4096xf32>, vector<16x4096xf32> -> vector<16x4096xf32>
    %get3A_37 = arith.constant 0 : index
    %get3A_38 = arith.constant 0 : index
    %get3A_39 = vector.load %arg5[%get3A_37, %get3A_38] : memref<32x16xf32, #tpu.memory_space<vmem>>, vector<32x16xf32>
    %dot_general3A_40 = arith.constant dense<0.000000e+00> : vector<32x4096xf32>
    %dot_general3A_41 = tpu.matmul %get3A_39, %add3A_31, %dot_general3A_40 {dimension_numbers = #tpu.dot_dimension_numbers<[1], [0], [0], [1], [0, 0, 1, 1], [], []>, transpose_lhs_hint = false} : vector<32x16xf32>, vector<16x4096xf32>, vector<32x4096xf32> -> vector<32x4096xf32>
    %get3A_42 = arith.constant 0 : index
    %get3A_43 = arith.constant 0 : index
    %get3A_44 = vector.load %arg6[%get3A_42, %get3A_43] : memref<32x1xf32, #tpu.memory_space<vmem>>, vector<32x1xf32>
    %add3A_45 = vector.broadcast %get3A_44 : vector<32x1xf32> to vector<32x4096xf32>
    %add3A_46 = arith.addf %dot_general3A_41, %add3A_45 : vector<32x4096xf32>
    %ge3A = arith.constant 0.000000e+00 : f32
    %ge3A_47 = vector.broadcast %ge3A : f32 to vector<32x4096xf32>
    %ge3A_48 = arith.cmpf oge, %add3A_46, %ge3A_47 : vector<32x4096xf32>
    %mul3A_49 = arith.constant 1.000000e-01 : f32
    %mul3A_50 = vector.broadcast %mul3A_49 : f32 to vector<32x4096xf32>
    %mul3A_51 = arith.mulf %mul3A_50, %add3A_46 : vector<32x4096xf32>
    %select_n3A = arith.select %ge3A_48, %add3A_46, %mul3A_51 : vector<32x4096xi1>, vector<32x4096xf32>
    %get3A_52 = arith.constant 0 : index
    %get3A_53 = arith.constant 0 : index
    %get3A_54 = vector.load %arg7[%get3A_52, %get3A_53] : memref<32x32xf32, #tpu.memory_space<vmem>>, vector<32x32xf32>
    %dot_general3A_55 = arith.constant dense<0.000000e+00> : vector<32x4096xf32>
    %dot_general3A_56 = tpu.matmul %get3A_54, %select_n3A, %dot_general3A_55 {dimension_numbers = #tpu.dot_dimension_numbers<[1], [0], [0], [1], [0, 0, 1, 1], [], []>, transpose_lhs_hint = false} : vector<32x32xf32>, vector<32x4096xf32>, vector<32x4096xf32> -> vector<32x4096xf32>
    %get3A_57 = arith.constant 0 : index
    %get3A_58 = arith.constant 0 : index
    %get3A_59 = vector.load %arg8[%get3A_57, %get3A_58] : memref<32x1xf32, #tpu.memory_space<vmem>>, vector<32x1xf32>
    %add3A_60 = vector.broadcast %get3A_59 : vector<32x1xf32> to vector<32x4096xf32>
    %add3A_61 = arith.addf %dot_general3A_56, %add3A_60 : vector<32x4096xf32>
    %ge3A_62 = arith.constant 0.000000e+00 : f32
    %ge3A_63 = vector.broadcast %ge3A_62 : f32 to vector<32x4096xf32>
    %ge3A_64 = arith.cmpf oge, %add3A_61, %ge3A_63 : vector<32x4096xf32>
    %mul3A_65 = arith.constant 1.000000e-01 : f32
    %mul3A_66 = vector.broadcast %mul3A_65 : f32 to vector<32x4096xf32>
    %mul3A_67 = arith.mulf %mul3A_66, %add3A_61 : vector<32x4096xf32>
    %select_n3A_68 = arith.select %ge3A_64, %add3A_61, %mul3A_67 : vector<32x4096xi1>, vector<32x4096xf32>
    %get3A_69 = arith.constant 0 : index
    %get3A_70 = arith.constant 0 : index
    %get3A_71 = vector.load %arg9[%get3A_69, %get3A_70] : memref<16x32xf32, #tpu.memory_space<vmem>>, vector<16x32xf32>
    %dot_general3A_72 = arith.constant dense<0.000000e+00> : vector<16x4096xf32>
    %dot_general3A_73 = tpu.matmul %get3A_71, %select_n3A_68, %dot_general3A_72 {dimension_numbers = #tpu.dot_dimension_numbers<[1], [0], [0], [1], [0, 0, 1, 1], [], []>, transpose_lhs_hint = false} : vector<16x32xf32>, vector<32x4096xf32>, vector<16x4096xf32> -> vector<16x4096xf32>
    %get3A_74 = arith.constant 0 : index
    %get3A_75 = arith.constant 0 : index
    %get3A_76 = vector.load %arg10[%get3A_74, %get3A_75] : memref<16x1xf32, #tpu.memory_space<vmem>>, vector<16x1xf32>
    %add3A_77 = vector.broadcast %get3A_76 : vector<16x1xf32> to vector<16x4096xf32>
    %add3A_78 = arith.addf %dot_general3A_73, %add3A_77 : vector<16x4096xf32>
    %add3A_79 = arith.addf %dot_general3A_36, %add3A_78 : vector<16x4096xf32>
    %mul3A_80 = arith.constant 1.960000e+00 : f32
    %mul3A_81 = vector.broadcast %mul3A_80 : f32 to vector<1x4096xf32>
    %mul3A_82 = arith.mulf %add3A_6, %mul3A_81 : vector<1x4096xf32>
    %add3A_83 = arith.constant 1.000000e+00 : f32
    %add3A_84 = vector.broadcast %add3A_83 : f32 to vector<1x4096xf32>
    %add3A_85 = arith.addf %add3A_84, %mul3A_82 : vector<1x4096xf32>
    %rsqrt3A = math.rsqrt %add3A_85 : vector<1x4096xf32>
    %mul3A_86 = arith.constant 1.400000e+00 : f32
    %mul3A_87 = vector.broadcast %mul3A_86 : f32 to vector<1x4096xf32>
    %mul3A_88 = arith.mulf %mul3A_87, %rsqrt3A : vector<1x4096xf32>
    %mul3A_89 = vector.broadcast %mul3A_88 : vector<1x4096xf32> to vector<3x4096xf32>
    %mul3A_90 = arith.mulf %get3A_1, %mul3A_89 : vector<3x4096xf32>
    %get3A_91 = arith.constant 0 : index
    %get3A_92 = arith.constant 0 : index
    %get3A_93 = vector.load %arg11[%get3A_91, %get3A_92] : memref<16x3xf32, #tpu.memory_space<vmem>>, vector<16x3xf32>
    %dot_general3A_94 = arith.constant dense<0.000000e+00> : vector<16x4096xf32>
    %dot_general3A_95 = tpu.matmul %get3A_93, %mul3A_90, %dot_general3A_94 {dimension_numbers = #tpu.dot_dimension_numbers<[1], [0], [0], [1], [0, 0, 1, 1], [], []>, transpose_lhs_hint = false} : vector<16x3xf32>, vector<3x4096xf32>, vector<16x4096xf32> -> vector<16x4096xf32>
    %get3A_96 = arith.constant 0 : index
    %get3A_97 = arith.constant 0 : index
    %get3A_98 = vector.load %arg12[%get3A_96, %get3A_97] : memref<16x1xf32, #tpu.memory_space<vmem>>, vector<16x1xf32>
    %add3A_99 = vector.broadcast %get3A_98 : vector<16x1xf32> to vector<16x4096xf32>
    %add3A_100 = arith.addf %dot_general3A_95, %add3A_99 : vector<16x4096xf32>
    %get3A_101 = arith.constant 0 : index
    %get3A_102 = arith.constant 0 : index
    %get3A_103 = vector.load %arg13[%get3A_101, %get3A_102] : memref<16x3xf32, #tpu.memory_space<vmem>>, vector<16x3xf32>
    %dot_general3A_104 = arith.constant dense<0.000000e+00> : vector<16x4096xf32>
    %dot_general3A_105 = tpu.matmul %get3A_103, %mul3A_90, %dot_general3A_104 {dimension_numbers = #tpu.dot_dimension_numbers<[1], [0], [0], [1], [0, 0, 1, 1], [], []>, transpose_lhs_hint = false} : vector<16x3xf32>, vector<3x4096xf32>, vector<16x4096xf32> -> vector<16x4096xf32>
    %get3A_106 = arith.constant 0 : index
    %get3A_107 = arith.constant 0 : index
    %get3A_108 = vector.load %arg14[%get3A_106, %get3A_107] : memref<16x1xf32, #tpu.memory_space<vmem>>, vector<16x1xf32>
    %add3A_109 = vector.broadcast %get3A_108 : vector<16x1xf32> to vector<16x4096xf32>
    %add3A_110 = arith.addf %dot_general3A_105, %add3A_109 : vector<16x4096xf32>
    %mul3A_111 = arith.mulf %add3A_100, %add3A_110 : vector<16x4096xf32>
    %get3A_112 = arith.constant 0 : index
    %get3A_113 = arith.constant 0 : index
    %get3A_114 = vector.load %arg15[%get3A_112, %get3A_113] : memref<16x256xf32, #tpu.memory_space<vmem>>, vector<16x256xf32>
    %dot_general3A_115 = arith.constant dense<0.000000e+00> : vector<4096x256xf32>
    %dot_general3A_116 = tpu.matmul %add3A_79, %get3A_114, %dot_general3A_115 {dimension_numbers = #tpu.dot_dimension_numbers<[0], [0], [1], [1], [0, 1, 1, 1], [], []>, transpose_lhs_hint = false} : vector<16x4096xf32>, vector<16x256xf32>, vector<4096x256xf32> -> vector<4096x256xf32>
    %get3A_117 = arith.constant 0 : index
    %get3A_118 = arith.constant 0 : index
    %get3A_119 = vector.load %arg16[%get3A_117, %get3A_118] : memref<16x256xf32, #tpu.memory_space<vmem>>, vector<16x256xf32>
    %dot_general3A_120 = arith.constant dense<0.000000e+00> : vector<4096x256xf32>
    %dot_general3A_121 = tpu.matmul %mul3A_111, %get3A_119, %dot_general3A_120 {dimension_numbers = #tpu.dot_dimension_numbers<[0], [0], [1], [1], [0, 1, 1, 1], [], []>, transpose_lhs_hint = false} : vector<16x4096xf32>, vector<16x256xf32>, vector<4096x256xf32> -> vector<4096x256xf32>
    %mul3A_122 = arith.mulf %dot_general3A_116, %dot_general3A_121 : vector<4096x256xf32>
    %swap3A = arith.constant 0 : index
    %swap3A_123 = arith.constant 0 : index
    %swap3A_124 = vector.load %arg17[%swap3A, %swap3A_123] : memref<4096x256xf32, #tpu.memory_space<vmem>>, vector<4096x256xf32>
    tpu.vector_store %arg17[%swap3A, %swap3A_123], %mul3A_122 {strides = array<i32>} : memref<4096x256xf32, #tpu.memory_space<vmem>>, vector<4096x256xf32>,
    return
  }
  func.func @transform_0(%arg0: i32) -> (i32, i32) {
    %c0_i32 = arith.constant 0 : i32
    %c0_i32_0 = arith.constant 0 : i32
    return %c0_i32, %arg0 : i32, i32
  }
  func.func @transform_1(%arg0: i32) -> (i32, i32) {
    %c0_i32 = arith.constant 0 : i32
    %c0_i32_0 = arith.constant 0 : i32
    %c0_i32_1 = arith.constant 0 : i32
    return %c0_i32, %c0_i32_0 : i32, i32
  }
  func.func @transform_2(%arg0: i32) -> (i32, i32) {
    %c0_i32 = arith.constant 0 : i32
    %c0_i32_0 = arith.constant 0 : i32
    %c0_i32_1 = arith.constant 0 : i32
    return %c0_i32, %c0_i32_0 : i32, i32
  }
  func.func @transform_3(%arg0: i32) -> (i32, i32) {
    %c0_i32 = arith.constant 0 : i32
    %c0_i32_0 = arith.constant 0 : i32
    %c0_i32_1 = arith.constant 0 : i32
    return %c0_i32, %c0_i32_0 : i32, i32
  }
  func.func @transform_4(%arg0: i32) -> (i32, i32) {
    %c0_i32 = arith.constant 0 : i32
    %c0_i32_0 = arith.constant 0 : i32
    %c0_i32_1 = arith.constant 0 : i32
    return %c0_i32, %c0_i32_0 : i32, i32
  }
  func.func @transform_5(%arg0: i32) -> (i32, i32) {
    %c0_i32 = arith.constant 0 : i32
    %c0_i32_0 = arith.constant 0 : i32
    %c0_i32_1 = arith.constant 0 : i32
    return %c0_i32, %c0_i32_0 : i32, i32
  }
  func.func @transform_6(%arg0: i32) -> (i32, i32) {
    %c0_i32 = arith.constant 0 : i32
    %c0_i32_0 = arith.constant 0 : i32
    %c0_i32_1 = arith.constant 0 : i32
    return %c0_i32, %c0_i32_0 : i32, i32
  }
  func.func @transform_7(%arg0: i32) -> (i32, i32) {
    %c0_i32 = arith.constant 0 : i32
    %c0_i32_0 = arith.constant 0 : i32
    %c0_i32_1 = arith.constant 0 : i32
    return %c0_i32, %c0_i32_0 : i32, i32
  }
  func.func @transform_8(%arg0: i32) -> (i32, i32) {
    %c0_i32 = arith.constant 0 : i32
    %c0_i32_0 = arith.constant 0 : i32
    %c0_i32_1 = arith.constant 0 : i32
    return %c0_i32, %c0_i32_0 : i32, i32
  }
  func.func @transform_9(%arg0: i32) -> (i32, i32) {
    %c0_i32 = arith.constant 0 : i32
    %c0_i32_0 = arith.constant 0 : i32
    %c0_i32_1 = arith.constant 0 : i32
    return %c0_i32, %c0_i32_0 : i32, i32
  }
  func.func @transform_10(%arg0: i32) -> (i32, i32) {
    %c0_i32 = arith.constant 0 : i32
    %c0_i32_0 = arith.constant 0 : i32
    %c0_i32_1 = arith.constant 0 : i32
    return %c0_i32, %c0_i32_0 : i32, i32
  }
  func.func @transform_11(%arg0: i32) -> (i32, i32) {
    %c0_i32 = arith.constant 0 : i32
    %c0_i32_0 = arith.constant 0 : i32
    %c0_i32_1 = arith.constant 0 : i32
    return %c0_i32, %c0_i32_0 : i32, i32
  }
  func.func @transform_12(%arg0: i32) -> (i32, i32) {
    %c0_i32 = arith.constant 0 : i32
    %c0_i32_0 = arith.constant 0 : i32
    %c0_i32_1 = arith.constant 0 : i32
    return %c0_i32, %c0_i32_0 : i32, i32
  }
  func.func @transform_13(%arg0: i32) -> (i32, i32) {
    %c0_i32 = arith.constant 0 : i32
    %c0_i32_0 = arith.constant 0 : i32
    %c0_i32_1 = arith.constant 0 : i32
    return %c0_i32, %c0_i32_0 : i32, i32
  }
  func.func @transform_14(%arg0: i32) -> (i32, i32) {
    %c0_i32 = arith.constant 0 : i32
    %c0_i32_0 = arith.constant 0 : i32
    %c0_i32_1 = arith.constant 0 : i32
    return %c0_i32, %c0_i32_0 : i32, i32
  }
  func.func @transform_15(%arg0: i32) -> (i32, i32) {
    %c0_i32 = arith.constant 0 : i32
    %c0_i32_0 = arith.constant 0 : i32
    %c0_i32_1 = arith.constant 0 : i32
    return %c0_i32, %c0_i32_0 : i32, i32
  }
  func.func @transform_16(%arg0: i32) -> (i32, i32) {
    %c0_i32 = arith.constant 0 : i32
    %c0_i32_0 = arith.constant 0 : i32
    return %arg0, %c0_i32 : i32, i32
  }
}

module attributes {stable_mosaic.version = 14 : i64} {
  func.func @_proj_body(%arg0: i32, %arg1: memref<2000x256xf32, #tpu.memory_space<vmem>>, %arg2: memref<256x48xf32, #tpu.memory_space<vmem>>, %arg3: memref<256x144xf32, #tpu.memory_space<vmem>>, %arg4: memref<2000x16xf32, #tpu.memory_space<vmem>>, %arg5: memref<2000x48xf32, #tpu.memory_space<vmem>>, %arg6: memref<2000x144xf32, #tpu.memory_space<vmem>>) attributes {dimension_semantics = [#tpu.dimension_semantics<arbitrary>], iteration_bounds = array<i64: 5>, scalar_prefetch = 0 : i64, scratch_operands = 0 : i64, tpu.core_type = #tpu.core_type<tc>, window_params = [{transform_indices = @transform_0, window_bounds = array<i64: 2000, 256>}, {pipeline_mode = #tpu.pipeline_mode<synchronous>, transform_indices = @transform_1, window_bounds = array<i64: 256, 48>}, {pipeline_mode = #tpu.pipeline_mode<synchronous>, transform_indices = @transform_2, window_bounds = array<i64: 256, 144>}, {transform_indices = @transform_3, window_bounds = array<i64: 2000, 16>}, {transform_indices = @transform_4, window_bounds = array<i64: 2000, 48>}, {transform_indices = @transform_5, window_bounds = array<i64: 2000, 144>}]} {
    %get3A = arith.constant 0 : index
    %get3A_0 = arith.constant 0 : index
    %get3A_1 = vector.load %arg1[%get3A, %get3A_0] : memref<2000x256xf32, #tpu.memory_space<vmem>>, vector<2000x256xf32>
    %slice3A = vector.extract_strided_slice %get3A_1 {offsets = [0, 0], sizes = [2000, 16], strides = [1, 1]} : vector<2000x256xf32> to vector<2000x16xf32>
    %swap3A = arith.constant 0 : index
    %swap3A_2 = arith.constant 0 : index
    %swap3A_3 = vector.load %arg4[%swap3A, %swap3A_2] : memref<2000x16xf32, #tpu.memory_space<vmem>>, vector<2000x16xf32>
    tpu.vector_store %arg4[%swap3A, %swap3A_2], %slice3A {strides = array<i32>} : memref<2000x16xf32, #tpu.memory_space<vmem>>, vector<2000x16xf32>,
    %get3A_4 = arith.constant 0 : index
    %get3A_5 = arith.constant 0 : index
    %get3A_6 = vector.load %arg2[%get3A_4, %get3A_5] : memref<256x48xf32, #tpu.memory_space<vmem>>, vector<256x48xf32>
    %dot_general3A = arith.constant dense<0.000000e+00> : vector<2000x48xf32>
    %dot_general3A_7 = tpu.matmul %get3A_1, %get3A_6, %dot_general3A {dimension_numbers = #tpu.dot_dimension_numbers<[1], [0], [0], [1], [0, 0, 1, 1], [], []>, transpose_lhs_hint = false} : vector<2000x256xf32>, vector<256x48xf32>, vector<2000x48xf32> -> vector<2000x48xf32>
    %swap3A_8 = arith.constant 0 : index
    %swap3A_9 = arith.constant 0 : index
    %swap3A_10 = vector.load %arg5[%swap3A_8, %swap3A_9] : memref<2000x48xf32, #tpu.memory_space<vmem>>, vector<2000x48xf32>
    tpu.vector_store %arg5[%swap3A_8, %swap3A_9], %dot_general3A_7 {strides = array<i32>} : memref<2000x48xf32, #tpu.memory_space<vmem>>, vector<2000x48xf32>,
    %get3A_11 = arith.constant 0 : index
    %get3A_12 = arith.constant 0 : index
    %get3A_13 = vector.load %arg3[%get3A_11, %get3A_12] : memref<256x144xf32, #tpu.memory_space<vmem>>, vector<256x144xf32>
    %dot_general3A_14 = arith.constant dense<0.000000e+00> : vector<2000x144xf32>
    %dot_general3A_15 = tpu.matmul %get3A_1, %get3A_13, %dot_general3A_14 {dimension_numbers = #tpu.dot_dimension_numbers<[1], [0], [0], [1], [0, 0, 1, 1], [], []>, transpose_lhs_hint = false} : vector<2000x256xf32>, vector<256x144xf32>, vector<2000x144xf32> -> vector<2000x144xf32>
    %swap3A_16 = arith.constant 0 : index
    %swap3A_17 = arith.constant 0 : index
    %swap3A_18 = vector.load %arg6[%swap3A_16, %swap3A_17] : memref<2000x144xf32, #tpu.memory_space<vmem>>, vector<2000x144xf32>
    tpu.vector_store %arg6[%swap3A_16, %swap3A_17], %dot_general3A_15 {strides = array<i32>} : memref<2000x144xf32, #tpu.memory_space<vmem>>, vector<2000x144xf32>,
    return
  }
  func.func @transform_0(%arg0: i32) -> (i32, i32) {
    %c0_i32 = arith.constant 0 : i32
    %c0_i32_0 = arith.constant 0 : i32
    return %arg0, %c0_i32 : i32, i32
  }
  func.func @transform_1(%arg0: i32) -> (i32, i32) {
    %c0_i32 = arith.constant 0 : i32
    %c0_i32_0 = arith.constant 0 : i32
    %c0_i32_1 = arith.constant 0 : i32
    return %c0_i32, %c0_i32_0 : i32, i32
  }
  func.func @transform_2(%arg0: i32) -> (i32, i32) {
    %c0_i32 = arith.constant 0 : i32
    %c0_i32_0 = arith.constant 0 : i32
    %c0_i32_1 = arith.constant 0 : i32
    return %c0_i32, %c0_i32_0 : i32, i32
  }
  func.func @transform_3(%arg0: i32) -> (i32, i32) {
    %c0_i32 = arith.constant 0 : i32
    %c0_i32_0 = arith.constant 0 : i32
    return %arg0, %c0_i32 : i32, i32
  }
  func.func @transform_4(%arg0: i32) -> (i32, i32) {
    %c0_i32 = arith.constant 0 : i32
    %c0_i32_0 = arith.constant 0 : i32
    return %arg0, %c0_i32 : i32, i32
  }
  func.func @transform_5(%arg0: i32) -> (i32, i32) {
    %c0_i32 = arith.constant 0 : i32
    %c0_i32_0 = arith.constant 0 : i32
    return %arg0, %c0_i32 : i32, i32
  }
}

</mosaic_0001>

<sc_bundles>
// kernel: kernel.5.cloned.1.call-start
scs
__scs_entry_jumppad:
0x0: {  	(pc) =	sbr.rel $0x88, $3  }
0x1: {  	(tag) =	ssettag $0x0;
	lr =	simm.s32 $0x1  }
0x2: {  	[smem:$0x3F94] =	sst lr;
	_ =	strace $0xD0000000  }
0x3: {  	_ = 	snop  }
0x4: {  	_ = 	snop  }
0x5: {  	_ = 	snop  }
0x6: {  	_ = 	snop  }
0x7: {  	_ = 	snop  }
__scs_overlays_trampoline_lowered:
0x8: {  	[smem:$0x3FA3] =	sst s0  }
0x9: {  	[smem:$0x3FA4] =	sst s1  }
0xa: {  	[smem:$0x3FA5] =	sst s2  }
0xb: {  	[smem:$0x3FA6] =	sst s3  }
0xc: {  	[smem:$0x3FA7] =	sst s4  }
0xd: {  	[smem:$0x3FA8] =	sst s5  }
0xe: {  	[smem:$0x3FA9] =	sst s6  }
0xf: {  	[smem:$0x3FAA] =	sst s7  }
0x10: {  	[smem:$0x3FAB] =	sst s8  }
0x11: {  	[smem:$0x3FAC] =	sst s9;
	s0 =	simm.s32 @!p0 $0x0  }
0x12: {  	s1 =	sld [smem:$0x3F92];
	s0 =	simm.s32 @p0 $0x1  }
0x13: {  	[smem:$0x3FAD] =	sst s0;
	s0 =	simm.s32 @!p1 $0x0  }
0x14: {  	s2 =	sld [smem:$0x3F91];
	s0 =	simm.s32 @p1 $0x1  }
0x15: {  	[smem:$0x3FAE] =	sst s0;
	s0 =	simm.s32 @!p2 $0x0  }
0x16: {  	s3 =	sld [smem:$0x3FDB];
	s0 =	simm.s32 @p2 $0x1  }
0x17: {  	s4 =	simm.s32 $0x1BF5;
	[smem:$0x3FB0] =	sst s0  }
0x18: {  	s0 =	sld [smem:$0x3F93];
	_ =	swait.ge [sflag:s4], $0x0  }
0x19: {  	s7 =	sld [smem:$0x3F94]  }
0x1a: {  	s8 =	sadd.s32 $0xFFFFE003, lr  }
0x1b: {  	s9 =	sadd.s32 $0xFFFFFEF7, lr;
	s5 =	simm.s32 $0xFFFFFFFF;
	p2 =	slt.u32 s8, $0xFFFFF086  }
0x1c: {  	p1 =	slt.u32 s9, $0xF7A;
	s5 =	simm.s32 @!p2 $0x0  }
0x1d: {  	s5 =	simm.s32 @p1 $0x1;
	p0 =	seq.s32 s7, s2  }
0x1e: {  	s7 =	smul.u32 @!p0 $0xF7A, s2;
	p2 =	seq.s32 @!p0 s5, $0x0  }
0x1f: {  	s9 =	smul.u32 $0xF7A, s1;
	s8 =	simm.s32 @!p0 $0x1BF5;
	p2 =	por !p2, p0  }
0x20: {  	[sflag:s8] =	ssyncset.s32 @!p0 $0xFFFFF086;
	s6 =	sadd.s32 @!p0 s3, s7;
	s7 =	simm.s32 @!p0 $0x108  }
0x21: {  	s3 =	sadd.s32 s3, s9;
	s6 =	sadd.s32 @!p0 $0x88, s6;
	s7 =	simm.s32 @p2 $0x1082  }
0x22: {  	[simem:s7], [sflag:s8] =	dma.local @!p0 [hbm:s6], $0xF7A  }
0x23: {  	s9 =	sor.u32 $0xD0000000, s2;
	s6 =	simm.s32 $0x108;
	_ =	swait.ge @!p0 [sflag:s8], $0x0  }
0x24: {  	s3 =	sadd.s32 $0x88, s3;
	s6 =	simm.s32 @!p1 $0x1082;
	[sflag:s4] =	ssyncset.s32 $0xFFFFF086  }
0x25: {  	[simem:s6], [sflag:s4] =	dma.local [hbm:s3], $0xF7A  }
0x26: {  	[smem:$0x3F94] =	sst s1;
	(tag) =	ssettag s2;
	_ =	strace s9  }
0x27: {  	s1 =	sld [smem:$0x3FA4]  }
0x28: {  	s2 =	sld [smem:$0x3FA5]  }
0x29: {  	s4 =	sld [smem:$0x3FA7]  }
0x2a: {  	p0 =	seq.s32 s5, $0x0;
	s5 =	sld [smem:$0x3FA8]  }
0x2b: {  	s6 =	sld [smem:$0x3FA9]  }
0x2c: {  	s7 =	sld [smem:$0x3FAA]  }
0x2d: {  	s3 =	simm.s32 $0x108;
	s8 =	sld [smem:$0x3FAB]  }
0x2e: {  	s3 =	simm.s32 @!p0 $0x1082;
	s9 =	sld [smem:$0x3FAC]  }
0x2f: {  	lr =	sadd.s32 s0, s3;
	s0 =	sld [smem:$0x3FA3]  }
0x30: {  	s3 =	sld [smem:$0x3FA6]  }
0x31: {  	[smem:$0x3FAF] =	sst s10  }
0x32: {  	s10 =	sld [smem:$0x3FAD];
	_ =	sdelay $0x3  }
0x33: {  	p0 =	seq.s32 s10, $0x1;
	s10 =	sld [smem:$0x3FAF];
	_ =	sdelay $0x3  }
0x34: {  	[smem:$0x3FAF] =	sst s10  }
0x35: {  	s10 =	sld [smem:$0x3FAE];
	_ =	sdelay $0x3  }
0x36: {  	p1 =	seq.s32 s10, $0x1;
	s10 =	sld [smem:$0x3FAF];
	_ =	sdelay $0x3  }
0x37: {  	[smem:$0x3FAF] =	sst s10  }
0x38: {  	s10 =	sld [smem:$0x3FB0]  }
0x39: {  	_ = 	snop;
	(pc) =	sbr.ind lr, $3  }
0x3a: {  	_ = 	snop  }
0x3b: {  	_ = 	snop  }
0x3c: {  	p2 =	seq.s32 s10, $0x1;
	s10 =	sld [smem:$0x3FAF]  }
0x3d: {  	_ =	shalt  }
0x3e: {  	_ =	shalt  }
0x3f: {  	_ =	shalt  }
0x40: {  	_ =	shalt  }
0x41: {  	_ =	shalt  }
0x42: {  	_ =	shalt  }
0x43: {  	_ =	shalt  }
0x44: {  	_ =	shalt  }
0x45: {  	_ =	shalt  }
0x46: {  	_ =	shalt  }
0x47: {  	_ =	shalt  }
0x48: {  	_ =	shalt  }
0x49: {  	_ =	shalt  }
0x4a: {  	_ =	shalt  }
0x4b: {  	_ =	shalt  }
0x4c: {  	_ =	shalt  }
0x4d: {  	_ =	shalt  }
0x4e: {  	_ =	shalt  }
0x4f: {  	_ =	shalt  }
0x50: {  	_ =	shalt  }
0x51: {  	_ =	shalt  }
0x52: {  	_ =	shalt  }
0x53: {  	_ =	shalt  }
0x54: {  	_ =	shalt  }
0x55: {  	_ =	shalt  }
0x56: {  	_ =	shalt  }
0x57: {  	_ =	shalt  }
0x58: {  	_ =	shalt  }
0x59: {  	_ =	shalt  }
0x5a: {  	_ =	shalt  }
0x5b: {  	_ =	shalt  }
0x5c: {  	_ =	shalt  }
0x5d: {  	_ =	shalt  }
0x5e: {  	_ =	shalt  }
0x5f: {  	_ =	shalt  }
0x60: {  	_ =	shalt  }
0x61: {  	_ =	shalt  }
0x62: {  	_ =	shalt  }
0x63: {  	_ =	shalt  }
0x64: {  	_ =	shalt  }
0x65: {  	_ =	shalt  }
0x66: {  	_ =	shalt  }
0x67: {  	_ =	shalt  }
0x68: {  	_ =	shalt  }
0x69: {  	_ =	shalt  }
0x6a: {  	_ =	shalt  }
0x6b: {  	_ =	shalt  }
0x6c: {  	_ =	shalt  }
0x6d: {  	_ =	shalt  }
0x6e: {  	_ =	shalt  }
0x6f: {  	_ =	shalt  }
0x70: {  	_ =	shalt  }
0x71: {  	_ =	shalt  }
0x72: {  	_ =	shalt  }
0x73: {  	_ =	shalt  }
0x74: {  	_ =	shalt  }
0x75: {  	_ =	shalt  }
0x76: {  	_ =	shalt  }
0x77: {  	_ =	shalt  }
0x78: {  	_ =	shalt  }
0x79: {  	_ =	shalt  }
0x7a: {  	_ =	shalt  }
0x7b: {  	_ =	shalt  }
0x7c: {  	_ =	shalt  }
0x7d: {  	_ =	shalt  }
0x7e: {  	_ =	shalt  }
0x7f: {  	_ =	shalt  }
0x80: {  	_ =	shalt  }
0x81: {  	_ =	shalt  }
0x82: {  	_ =	shalt  }
0x83: {  	_ =	shalt  }
0x84: {  	_ =	shalt  }
0x85: {  	_ =	shalt  }
0x86: {  	_ =	shalt  }
0x87: {  	_ =	shalt  }
.Lfunc_end0:
.L_simem_size_0:
called_computation_lowered:
.L_overlay_start_0:
0x88: {  	s2 =	sld [smem:$0x3FD9]  }
0x89: {  	s3 =	sld [smem:$0x3FFE];
	_ =	sdelay $0x1  }
0x8a: {  	s1 =	srdreg.scid  }
0x8b: {  	s0 =	sand.u32 $0x1, s1  }
0x8c: {  	s14 =	sshll.u32 s0, $0xA;
	s2 =	sadd.s32 s3, s2  }
0x8d: {  	s2 =	sadd.s32 s2, s14  }
0x8e: {  	[smem:$0x3FBB] =	sst s2  }
0x8f: {  	_ = 	snop  }
0x90: {  	s2 =	sld [smem:$0x3FD0];
	_ =	sdelay $0x2  }
0x91: {  	s15 =	simm.s32 $0xA;
	s4 =	simm.s32 $0x10  }
0x92: {  	[smem:s4], [sflag:s15] =	dma.local [hbm:s2], $0x1  }
0x93: {  	_ =	swait.eq [sflag:s15], $0x1  }
0x94: {  	[sflag:s15] =	ssyncset.done $0x0  }
0x95: {  	s16 =	sld [smem:$0x11];
	[sflag:s15] =	ssyncadd.s32 $0xFFFFFFFF  }
0x96: {  	s17 =	sld [smem:$0x12];
	(tm) =	ssettm $0x1  }
0x97: {  	s18 =	sld [smem:$0x3FFB];
	_ =	sdelay $0x3  }
0x98: {  	_ =	strace s18  }
0x99: {  	s4 =	sld [smem:$0x3FFC];
	_ =	sdelay $0x3  }
0x9a: {  	_ =	strace s4  }
0x9b: {  	s4 =	sld [smem:$0x3FFD];
	_ =	sdelay $0x3  }
0x9c: {  	_ =	strace s4  }
0x9d: {  	_ =	strace $0x8FFFFFFF  }
0x9e: {  	s19 =	sld [smem:$0x3FDB];
	_ =	sdelay $0x1  }
0x9f: {  	s5 =	simm.s32 $_scs_section_size  }
0xa0: {  	s6 =	simm.s32 $_size__tile_overlayer_lowered;
	s7 =	simm.s32 $_tile_overlayer_lowered  }
0xa1: {  	s22 =	simm.s32 $0x1BFF;
	s21 =	sshll.u32 s7, $0x1;
	s4 =	sadd.s32 s5, s19  }
0xa2: {  	s8 =	simm.s32 $0x0;
	s20 =	sshll.u32 s6, $0x1;
	s6 =	sadd.s32 s21, s4  }
0xa3: {  	[timem:s8], [sflag:s22] =	dma.local [hbm:s6], s20  }
0xa4: {  	_ =	swait.ge [sflag:s22], s20  }
0xa5: {  	s5 =	ssub.s32 $0x0, s20;
	[sflag:s22] =	ssyncset.done $0x0  }
0xa6: {  	[sflag:s22] =	ssyncadd.s32 s5;
	_ =	sdelay $0x1  }
0xa7: {  	s23 =	simm.s32 $0x1B8B  }
0xa8: {  	_ =	swait.ge [sflag:s23], $0x1  }
0xa9: {  	[sflag:s23] =	ssyncset.done $0x0  }
0xaa: {  	s25 =	simm.s32 $0x1B8E;
	s24 =	sld [smem:$0x3FFE];
	[sflag:s23] =	ssyncadd.s32 $0xFFFFFFFF  }
0xab: {  	s26 =	simm.s32 $execute0_lowered;
	[smem:$0x3FD2] =	sst s25  }
0xac: {  	s6 =	sshll.u32 s26, $0x1;
	_ =	strace $0x80000046;
	[dreg:$0x1] =	wrdreg $0xFFFFFFFF  }
0xad: {  	s28 =	simm.s32 $_size_execute0_lowered;
	s4 =	sadd.s32 s4, s6;
	[dreg:$0x0] =	wrdreg $0x0  }
0xae: {  	s6 =	sshll.u32 s28, $0x1;
	[dreg:$0x2] =	wrdreg s4  }
0xaf: {  	[dreg:$0x3] =	wrdreg s6  }
0xb0: {  	[dreg:$0x4] =	wrdreg $0xC0  }
0xb1: {  	_ =	task [dreg:s8], $0x5FFFF  }
0xb2: {  	[dreg:$0x1] =	wrdreg $0xFFFFFFFF  }
0xb3: {  	[dreg:$0x0] =	wrdreg $0x60  }
0xb4: {  	[dreg:$0x2] =	wrdreg s24  }
0xb5: {  	[dreg:$0x3] =	wrdreg s16  }
0xb6: {  	[dreg:$0x4] =	wrdreg s17  }
0xb7: {  	[dreg:$0x5] =	wrdreg $0x81000  }
0xb8: {  	[dreg:$0x6] =	wrdreg $0x9  }
0xb9: {  	_ =	task.clear_ibuf [dreg:s8], $0x7FFFF;
	_ =	strace $0x90000046  }
0xba: {  	s29 =	simm.s32 $0x9;
	_ =	strace $0x80000048  }
0xbb: {  	_ =	swait.ge [sflag:s29], $0x1  }
0xbc: {  	[sflag:s29] =	ssyncadd.s32 $0xFFFFFFFF  }
0xbd: {  	_ =	strace $0x90000048  }
0xbe: {  	_ =	sfence  }
0xbf: {  	s30 =	sld [smem:$0x0];
	_ =	sdelay $0x2  }
0xc0: {  	s31 =	sshll.u32 s1, $0xD;
	s1 =	sshrl.u32 s1, $0x2  }
0xc1: {  	s3 =	sand.u32 $0x4000, s31;
	s1 =	sadd.s32 s1, s30  }
0xc2: {  	s0 =	sor.u32 s3, s0;
	s1 =	sshll.u32 s1, $0x11  }
0xc3: {  	s0 =	sor.u32 s1, s0  }
0xc4: {  	s0 =	sadd.s32 $0x8F2B, s0  }
0xc5: {  	[sflag:s0] =	ssyncadd.remote.s32 $0x1  }
0xc6: {  	_ =	sfence.sel $0xFFFF  }
0xc7: {  	[dreg:$0x0] =	wrdreg $0xFFFFFFFF;
	(pc) =	sbr.abs _section_cstart, $3  }
0xc8: {  	[dreg:$0x1] =	wrdreg $0xFFFFFFFF  }
0xc9: {  	_ =	task.clear_ibuf [dreg:s8], $0x2FFFF;
	_ =	strace $0x9FFFFFFF  }
0xca: {  	(tm) =	ssettm $0x7FFFFFFF  }
0xcb: {  	_ =	shalt  }
tec
execute0_lowered:
.L_overlay_start_1:
0x0: {  	(tag) =	ssettag $0x1  }
0x1: {  	s0 =	rddreg [dreg:$0x0]  }
0x2: {  	s1 =	rddreg [dreg:$0x1]  }
0x3: {  	s2 =	rddreg [dreg:$0x2]  }
0x4: {  	s3 =	rddreg [dreg:$0x3];
	s4 =	simm.s32 $0x0  }
0x5: {  	s5 =	srdreg.scid;
	s12 =	stileid.u32;
	s17 =	simm.s32 $0x400  }
0x6: {  	s18 =	simm.s32 $0x800;
	s19 =	simm.s32 $0x100;
	s21 =	simm.s32 $0x3  }
0x7: {  	s22 =	simm.s32 $0x80;
	s23 =	simm.s32 $0x4100;
	s6 =	smul.u32 $0x27800, s12  }
0x8: {  	s28 =	simm.s32 $0x0;
	[smem:$0x7FF] =	sst s4;
	s10 =	smul.u32 $0x280000, s12  }
0x9: {  	s7 =	sand.u32 $0x1, s5;
	s5 =	sadd.s32 $0x1E00, s0;
	s11 =	smul.u32 $0x4F000, s12  }
0xa: {  	s26 =	smul.u32 $0x2780, s12;
	s29 =	sshll.u32 s12, $0x6;
	s8 =	sshll.u32 s7, $0xA  }
0xb: {  	_ =	strace $0x80000047;
	s7 =	ssub.s32 $0x2, s7;
	s9 =	sor.u32 s8, s6  }
0xc: {  	s6 =	smul.u32 $0x500, s12;
	s24 =	sshrl.u32 s7, $0x1;
	s16 =	sor.u32 s8, s10  }
0xd: {  	s25 =	sshrl.u32 s11, $0x2;
	s2 =	sadd.s32 s2, s26;
	s10 =	sor.u32 $0x1C03, s29  }
0xe: {  	s9 =	sshrl.u32 s9, $0x3;
	s7 =	ssub.s32 s7, s24;
	s8 =	sshrl.u32 s16, $0x3  }
0xf: {  	s20 =	sadd.s32 s25, s3;
	[dreg:$0x5] =	wrdreg s2;
	s30 =	sor.u32 $0x8000, s16  }
0x10: {  	s16 =	sor.u32 $0x10000, s16;
	s24 =	simm.s32 $0x1;
	s25 =	simm.s32 $0x2  }
0x11: {  	s0 =	sadd.s32 s9, s0;
	s13 =	sadd.s32 s1, s6;
	s8 =	sadd.s32 s5, s8  }
0x12: {  	s12 =	smax.u32 s7, $0x1;
	s31 =	sshrl.u32 s30, $0x3;
	s20 =	sshrl.u32 s20, $0x3  }
0x13: {  	s0 =	sadd.s32 $0x501E00, s0;
	s11 =	smov.u32 s13;
	s13 =	sadd.s32 $0x4F0, s13  }
0x14: {  	s14 =	sadd.s32 $0x4F000, s8;
	s15 =	sadd.s32 s31, s5;
	[dreg:$0x6] =	wrdreg s0  }
.LBB2_1:
0x15: {  	[tilespmem:s4], [sflag:$0x1] =	stream.linear.gather [hbm4b:s11+s4], $0x80, $0x38;
	[tilespmem:$0x1BD00] =	vst v63  }
0x16: {  	s0 =	rddreg [dreg:$0x5]  }
0x17: {  	[tilespmem:s19], [sflag:$0x1] =	stream.strided.gather [hbm4b:s8+s17], $0x4000, s18, s17, $0x38;
	[tilespmem:$0x1BD00] =	vst v63  }
0x18: {  	[spmem:s20], [sflag:s10] =	dma.local [hbm:s0], $0x2780  }
0x19: {  	s9 =	simm.s32 $0x10;
	_ =	swait.ge [sflag:s21], $0x2780  }
0x1a: {  	s2 =	sadd.s32 $0x0, s6;
	s0 =	sand.u32 $0x70, s9;
	[sflag:s21] =	ssyncset.done $0x0  }
0x1b: {  	s7 =	sand.u32 $0xFF80, s2;
	s0 =	sadd.s32 s1, s0;
	[sflag:s21] =	ssyncadd.s32 $0xFFFFD880  }
0x1c: {  	s0 =	sadd.s32 s7, s0;
	[bflag:$0x0] =	sbarrier.arrive $0xFFFF  }
0x1d: {  	[tilespmem:s22], [sflag:$0x2] =	stream.linear.gather [hbm4b:s0+s4], $0x80, $0x38;
	[tilespmem:$0x1BD00] =	vst v63  }
0x1e: {  	_ = 	snop  }
0x1f: {  	[tilespmem:s23], [sflag:$0x2] =	stream.strided.gather [hbm4b:s15+s17], $0x4000, s18, s17, $0x38;
	[tilespmem:$0x1BD00] =	vst v63  }
0x20: {  	_ =	swait.ge [sflag:s24], $0x80  }
0x21: {  	[sflag:s24] =	ssyncset.done $0x0  }
0x22: {  	[sflag:s24] =	ssyncadd.s32 $0xFFFFFF80  }
0x23: {  	_ =	swait.ge [sflag:s24], $0x4000  }
0x24: {  	[sflag:s24] =	ssyncset.done $0x0  }
0x25: {  	s26 =	simm.s32 $0x20;
	[sflag:s24] =	ssyncadd.s32 $0xFFFFC000  }
0x26: {  	[spmem:s3] =	stream.indirect.scatter.add.f32 [tilespmem:s19], [sflag:$0x3], $0x80, s4, s22, $0xb8;
	[tilespmem:$0x1BD00] =	vst v63  }
0x27: {  	s2 =	sadd.s32 $0x20, s2;
	s0 =	sand.u32 $0x60, s26;
	_ =	swait.ge [sflag:s21], $0x4000  }
0x28: {  	s2 =	sand.u32 $0xFF80, s2;
	s0 =	sadd.s32 s1, s0;
	[sflag:s21] =	ssyncset.done $0x0  }
0x29: {  	s7 =	sshrl.u32 s16, $0x3;
	s0 =	sadd.s32 s2, s0;
	[sflag:s21] =	ssyncadd.s32 $0xFFFFC000  }
0x2a: {  	[tilespmem:s4], [sflag:$0x1] =	stream.linear.gather [hbm4b:s0+s4], $0x80, $0x38;
	[tilespmem:$0x1BD00] =	vst v63  }
0x2b: {  	s9 =	sadd.s32 s5, s7  }
0x2c: {  	[tilespmem:s19], [sflag:$0x1] =	stream.strided.gather [hbm4b:s9+s17], $0x4000, s18, s17, $0x38;
	[tilespmem:$0x1BD00] =	vst v63  }
0x2d: {  	_ =	swait.ge [sflag:s25], $0x80  }
0x2e: {  	[sflag:s25] =	ssyncset.done $0x0  }
0x2f: {  	[sflag:s25] =	ssyncadd.s32 $0xFFFFFF80  }
0x30: {  	s31 =	simm.s32 $0x40;
	_ =	swait.ge [sflag:s25], $0x4000  }
0x31: {  	s29 =	sadd.s32 $0x10000, s16;
	s26 =	simm.s32 $0x30;
	[sflag:s25] =	ssyncset.done $0x0  }
0x32: {  	s30 =	sand.u32 $0x60, s31;
	s7 =	sand.u32 $0x70, s26;
	[sflag:s25] =	ssyncadd.s32 $0xFFFFC000  }
0x33: {  	[spmem:s3] =	stream.indirect.scatter.add.f32 [tilespmem:s23], [sflag:$0x3], $0x80, s22, s22, $0xb8;
	[tilespmem:$0x1BD00] =	vst v63  }
0x34: {  	s2 =	sadd.s32 $0x20, s6;
	s7 =	sadd.s32 s1, s7;
	_ =	swait.ge [sflag:s21], $0x4000  }
0x35: {  	s26 =	sand.u32 $0xFF80, s2;
	s0 =	sadd.s32 $0x2000, s15;
	[sflag:s21] =	ssyncset.done $0x0  }
.LBB2_2:
0x36: {  	s7 =	sadd.s32 s26, s7  }
0x37: {  	s2 =	sadd.s32 $0x20, s2;
	[sflag:s21] =	ssyncadd.s32 $0xFFFFC000;
	s26 =	smov.u32 s31  }
0x38: {  	[tilespmem:s22], [sflag:$0x2] =	stream.linear.gather [hbm4b:s7+s4], $0x80, $0x38;
	[tilespmem:$0x1BD00] =	vst v63  }
0x39: {  	p0 =	sne.s32 s31, $0x4C0;
	s31 =	sadd.s32 $0x20, s31;
	s2 =	sand.u32 $0xFF80, s2  }
0x3a: {  	[tilespmem:s23], [sflag:$0x2] =	stream.strided.gather [hbm4b:s0+s17], $0x4000, s18, s17, $0x38;
	[tilespmem:$0x1BD00] =	vst v63  }
0x3b: {  	s7 =	sand.u32 $0x60, s31;
	_ =	swait.ge [sflag:s24], $0x80  }
0x3c: {  	[sflag:s24] =	ssyncset.done $0x0  }
0x3d: {  	[sflag:s24] =	ssyncadd.s32 $0xFFFFFF80  }
0x3e: {  	_ =	swait.ge [sflag:s24], $0x4000  }
0x3f: {  	[sflag:s24] =	ssyncset.done $0x0  }
0x40: {  	[sflag:s24] =	ssyncadd.s32 $0xFFFFC000  }
0x41: {  	[spmem:s3] =	stream.indirect.scatter.add.f32 [tilespmem:s19], [sflag:$0x3], $0x80, s4, s22, $0xb8;
	[tilespmem:$0x1BD00] =	vst v63  }
0x42: {  	_ =	swait.ge [sflag:s21], $0x4000  }
0x43: {  	s9 =	sadd.s32 s1, s30;
	s30 =	smov.u32 s7;
	[sflag:s21] =	ssyncset.done $0x0  }
0x44: {  	s2 =	sadd.s32 s2, s9;
	s7 =	sshrl.u32 s29, $0x3;
	[sflag:s21] =	ssyncadd.s32 $0xFFFFC000  }
0x45: {  	[tilespmem:s4], [sflag:$0x1] =	stream.linear.gather [hbm4b:s2+s4], $0x80, $0x38;
	[tilespmem:$0x1BD00] =	vst v63  }
0x46: {  	s2 =	sadd.s32 s5, s7  }
0x47: {  	[tilespmem:s19], [sflag:$0x1] =	stream.strided.gather [hbm4b:s2+s17], $0x4000, s18, s17, $0x38;
	[tilespmem:$0x1BD00] =	vst v63  }
0x48: {  	_ =	swait.ge [sflag:s25], $0x80  }
0x49: {  	[sflag:s25] =	ssyncset.done $0x0  }
0x4a: {  	[sflag:s25] =	ssyncadd.s32 $0xFFFFFF80  }
0x4b: {  	_ =	swait.ge [sflag:s25], $0x4000  }
.Ltmp0:
0x4c: {  	s29 =	sadd.s32 $0x10000, s29;
	[sflag:s25] =	ssyncset.done $0x0;
	(pc) =	sbr.rel @p0 .LBB2_2-.Ltmp0, $4  }
0x4d: {  	s0 =	sadd.s32 $0x2000, s0;
	s7 =	sadd.s32 $0x10, s26;
	[sflag:s25] =	ssyncadd.s32 $0xFFFFC000  }
0x4e: {  	[spmem:s3] =	stream.indirect.scatter.add.f32 [tilespmem:s23], [sflag:$0x3], $0x80, s22, s22, $0xb8;
	[tilespmem:$0x1BD00] =	vst v63  }
0x4f: {  	s7 =	sand.u32 $0x70, s7;
	s2 =	sadd.s32 s26, s6;
	_ =	swait.ge [sflag:s21], $0x4000  }
0x50: {  	s7 =	sadd.s32 s1, s7;
	s26 =	sand.u32 $0xFF80, s2;
	[sflag:s21] =	ssyncset.done $0x0  }
0x51: {  	s7 =	sadd.s32 s26, s7;
	[sflag:s21] =	ssyncadd.s32 $0xFFFFC000  }
0x52: {  	[tilespmem:s22], [sflag:$0x2] =	stream.linear.gather [hbm4b:s7+s4], $0x80, $0x38;
	[tilespmem:$0x1BD00] =	vst v63  }
0x53: {  	_ = 	snop  }
0x54: {  	[tilespmem:s23], [sflag:$0x2] =	stream.strided.gather [hbm4b:s0+s17], $0x4000, s18, s17, $0x38;
	[tilespmem:$0x1BD00] =	vst v63  }
0x55: {  	_ =	swait.ge [sflag:s24], $0x80  }
0x56: {  	[sflag:s24] =	ssyncset.done $0x0  }
0x57: {  	[sflag:s24] =	ssyncadd.s32 $0xFFFFFF80  }
0x58: {  	_ =	swait.ge [sflag:s24], $0x4000  }
0x59: {  	[sflag:s24] =	ssyncset.done $0x0  }
0x5a: {  	[sflag:s24] =	ssyncadd.s32 $0xFFFFC000  }
0x5b: {  	[spmem:s3] =	stream.indirect.scatter.add.f32 [tilespmem:s19], [sflag:$0x3], $0x80, s4, s22, $0xb8;
	[tilespmem:$0x1BD00] =	vst v63  }
0x5c: {  	s7 =	sadd.s32 $0x20, s2;
	_ =	swait.ge [sflag:s21], $0x4000  }
0x5d: {  	s9 =	sadd.s32 s1, s30;
	s0 =	sand.u32 $0xFF80, s7;
	[sflag:s21] =	ssyncset.done $0x0  }
0x5e: {  	s26 =	sshrl.u32 s29, $0x3;
	s0 =	sadd.s32 s0, s9;
	[sflag:s21] =	ssyncadd.s32 $0xFFFFC000  }
0x5f: {  	[tilespmem:s4], [sflag:$0x1] =	stream.linear.gather [hbm4b:s0+s4], $0x80, $0x38;
	[tilespmem:$0x1BD00] =	vst v63  }
0x60: {  	s29 =	sadd.s32 s5, s26  }
0x61: {  	[tilespmem:s19], [sflag:$0x1] =	stream.strided.gather [hbm4b:s29+s17], $0x4000, s18, s17, $0x38;
	[tilespmem:$0x1BD00] =	vst v63  }
0x62: {  	_ =	swait.ge [sflag:s25], $0x80  }
0x63: {  	[sflag:s25] =	ssyncset.done $0x0  }
0x64: {  	[sflag:s25] =	ssyncadd.s32 $0xFFFFFF80  }
0x65: {  	_ =	swait.ge [sflag:s25], $0x4000  }
0x66: {  	[sflag:s25] =	ssyncset.done $0x0  }
0x67: {  	[sflag:s25] =	ssyncadd.s32 $0xFFFFC000  }
0x68: {  	[spmem:s3] =	stream.indirect.scatter.add.f32 [tilespmem:s23], [sflag:$0x3], $0x80, s22, s22, $0xb8;
	[tilespmem:$0x1BD00] =	vst v63  }
0x69: {  	_ =	swait.ge [sflag:s21], $0x4000  }
0x6a: {  	[sflag:s21] =	ssyncset.done $0x0  }
0x6b: {  	[sflag:s21] =	ssyncadd.s32 $0xFFFFC000  }
0x6c: {  	[tilespmem:s22], [sflag:$0x2] =	stream.linear.gather [hbm4b:s13+s4], $0x80, $0x38;
	[tilespmem:$0x1BD00] =	vst v63  }
0x6d: {  	_ = 	snop  }
0x6e: {  	[tilespmem:s23], [sflag:$0x2] =	stream.strided.gather [hbm4b:s14+s17], $0x4000, s18, s17, $0x38;
	[tilespmem:$0x1BD00] =	vst v63  }
0x6f: {  	_ =	swait.ge [sflag:s24], $0x80  }
0x70: {  	[sflag:s24] =	ssyncset.done $0x0  }
0x71: {  	[sflag:s24] =	ssyncadd.s32 $0xFFFFFF80  }
0x72: {  	_ =	swait.ge [sflag:s24], $0x4000  }
0x73: {  	[sflag:s24] =	ssyncset.done $0x0  }
0x74: {  	[sflag:s24] =	ssyncadd.s32 $0xFFFFC000  }
0x75: {  	[spmem:s3] =	stream.indirect.scatter.add.f32 [tilespmem:s19], [sflag:$0x3], $0x80, s4, s22, $0xb8;
	[tilespmem:$0x1BD00] =	vst v63  }
0x76: {  	_ =	swait.ge [sflag:s21], $0x4000  }
0x77: {  	[sflag:s21] =	ssyncset.done $0x0  }
0x78: {  	[sflag:s21] =	ssyncadd.s32 $0xFFFFC000  }
0x79: {  	_ =	swait.ge [sflag:s25], $0x80  }
0x7a: {  	[sflag:s25] =	ssyncset.done $0x0  }
0x7b: {  	[sflag:s25] =	ssyncadd.s32 $0xFFFFFF80  }
0x7c: {  	_ =	swait.ge [sflag:s25], $0x4000  }
0x7d: {  	[sflag:s25] =	ssyncset.done $0x0  }
0x7e: {  	[sflag:s25] =	ssyncadd.s32 $0xFFFFC000  }
0x7f: {  	[spmem:s3] =	stream.indirect.scatter.add.f32 [tilespmem:s23], [sflag:$0x3], $0x80, s22, s22, $0xb8;
	[tilespmem:$0x1BD00] =	vst v63  }
0x80: {  	_ =	swait.ge [sflag:s21], $0x4000  }
0x81: {  	[sflag:s21] =	ssyncset.done $0x0  }
0x82: {  	s28 =	sadd.s32 $0x1, s28;
	[sflag:s21] =	ssyncadd.s32 $0xFFFFC000  }
0x83: {  	p0 =	sne.s32 s28, s12;
	[bflag:$0x0] =	sbarrier.arrive $0xFFFF  }
.Ltmp1:
0x84: {  	s31 =	simm.s32 $0x8;
	s30 =	rddreg [dreg:$0x6];
	(pc) =	sbr.rel @p0 .LBB2_1-.Ltmp1, $4  }
0x85: {  	[hbm:s30@s19], [sflag:s10] =	dma.strided [spmem:s20@s22], $0x2780, s31, $0x10   }
0x86: {  	_ =	swait.ge [sflag:s21], $0x2780  }
0x87: {  	[sflag:s21] =	ssyncset.done $0x0  }
0x88: {  	[sflag:s21] =	ssyncadd.s32 $0xFFFFD880  }
0x89: {  	_ =	sfence.sel $0x180000  }
0x8a: {  	[bflag:$0x0] =	sbarrier.arrive $0xFFFF  }
0x8b: {  	_ =	strace $0x90000047  }
0x8c: {  	s0 =	stileid.u32;
	[bflag:$0x2] =	sbarrier.arrive $0xFFFF  }
0x8d: {  	p0 =	sne.s32 s0, $0x0;
	s0 =	rddreg [dreg:$0x4]  }
0x8e: {  	s0 =	sadd.s32 @!p0 $0x100000, s0  }
0x8f: {  	[sflag:s0] =	ssyncadd.tile.s32 @!p0 $0x1;
	_ =	shalt  }
.Lfunc_end2:
_tile_overlayer_lowered:
.L_overlay_start_2:
0x90: {  	(tag) =	ssettag $0x2  }
0x91: {  	s0 =	rddreg [dreg:$0x0];
	s2 =	stileid.u32  }
0x92: {  	s1 =	rddreg [dreg:$0x1];
	p0 =	sne.s32 s2, $0x0  }
0x93: {  	s3 =	rddreg [dreg:$0x2];
	[bflag:$0x3] =	sbarrier.arrive $0xFFFF;
	s2 =	simm.s32 @!p0 $0x1C03  }
0x94: {  	[timem:s3], [sflag:s2] =	dma.local @!p0 [hbm:s0], s1  }
0x95: {  	s0 =	simm.s32 @!p0 $0x3  }
0x96: {  	_ =	swait.ge @!p0 [sflag:s0], s1  }
0x97: {  	s1 =	ssub.s32 @!p0 $0x0, s1;
	[sflag:s0] =	ssyncset.done @!p0 $0x0  }
0x98: {  	[sflag:s0] =	ssyncadd.s32 @!p0 s1  }
0x99: {  	[bflag:$0x3] =	sbarrier.arrive $0xFFFF  }
0x9a: {  	_ =	shalt  }

</sc_bundles>
